<compile_context>
chip_gen: v7x
topology: tpu7x:2x2x1
jax: 0.10.2.dev20260603
libtpu: 0.0.44.dev20260713+nightly
codegen_flags: <defaults>
</compile_context>

<pallas_src>
import functools

import jax
import jax.numpy as jnp
from jax import lax
from jax.experimental import pallas as pl
from jax.experimental.pallas import tpu as pltpu
from jax.experimental.pallas import tpu_sc as plsc

N = 131072
C = 19
CPAD = 20
K = 64
NCORES = 2
NSUB = 16
NW = NCORES * NSUB
RPT = N // NW
CHUNK = 2048
NCHUNK = RPT // CHUNK
EPC = CHUNK * C
SSTR = CPAD * K
LSTR = 4 * SSTR
TBL = 16 * LSTR


def _sc_hist_body(out_hbm, tgt_hbm, hist_hbm, in_v, tgt_v, tbl_v):
    cid = lax.axis_index("c")
    sid = lax.axis_index("s")
    wid = sid * NCORES + cid
    iota = lax.iota(jnp.int32, 16)
    zeros16 = jnp.zeros((16,), jnp.float32)
    ones16 = jnp.ones((16,), jnp.float32)
    lanebase = iota * LSTR

    def zero_body(i, carry):
        tbl_v[pl.ds(i * 16, 16)] = zeros16
        return carry

    lax.fori_loop(0, TBL // 16, zero_body, 0, unroll=8)

    def chunk_body(ci, carry):
        row0 = wid * RPT + ci * CHUNK
        pltpu.sync_copy(out_hbm.at[pl.ds(row0 * C, EPC)], in_v)
        pltpu.sync_copy(tgt_hbm.at[pl.ds(row0, CHUNK)], tgt_v)

        def grp_body(gi, c2):
            r = gi * 16
            rows = r + iota
            base = rows * C
            vals = [plsc.load_gather(in_v, [base + c]) for c in range(C)]
            exps = [jnp.exp(v) for v in vals]
            s = exps[0]
            for c in range(1, C):
                s = s + exps[c]
            rcp = 1.0 / s
            tv = tgt_v[pl.ds(r, 16)]
            errpos = zeros16
            for c in range(C):
                p = exps[c] * rcp
                fg = tv == c
                err = jnp.where(fg, 1.0 - p, p)
                errpos = jnp.where(fg, err, errpos)
                b = jnp.minimum((err * float(K)).astype(jnp.int32), K - 1)
                g = lanebase + (b + c * K)
                plsc.addupdate_scatter(tbl_v, [g], ones16)
                plsc.addupdate_scatter(tbl_v, [g + SSTR], err)
            bp = jnp.minimum((errpos * float(K)).astype(jnp.int32), K - 1)
            gp = lanebase + tv * K + (bp + 2 * SSTR)
            plsc.addupdate_scatter(tbl_v, [gp], ones16)
            plsc.addupdate_scatter(tbl_v, [gp + SSTR], errpos)
            return c2

        lax.fori_loop(0, CHUNK // 16, grp_body, 0)
        return carry

    lax.fori_loop(0, NCHUNK, chunk_body, 0)
    pltpu.sync_copy(tbl_v, hist_hbm.at[wid])


def _finish_body(hist_ref, out_ref):
    tot = jnp.sum(hist_ref[...], axis=0)
    t2 = tot.reshape(16 * 4 * CPAD * K // 128, 128)
    hi = lax.broadcasted_iota(jnp.int32, (LSTR // 128, 16 * LSTR // 128), 1)
    qi = lax.broadcasted_iota(jnp.int32, (LSTR // 128, 16 * LSTR // 128), 0)
    lmat = (hi % (LSTR // 128) == qi).astype(jnp.float32)
    t4 = jax.lax.dot_general(
        lmat, t2, (((1,), (0,)), ((), ())),
        preferred_element_type=jnp.float32)
    bi = lax.broadcasted_iota(jnp.int32, (128, 128), 0)
    bj = lax.broadcasted_iota(jnp.int32, (128, 128), 1)
    same = (bi // K) == (bj // K)
    m = ((bi > bj) & same).astype(jnp.float32)
    om = same.astype(jnp.float32)
    cum = jax.lax.dot_general(
        t4, m, (((1,), (0,)), ((), ())),
        preferred_element_type=jnp.float32)
    R = CPAD * K // 128
    cntA, sumA, cntP, sumP = (t4[i * R:(i + 1) * R] for i in range(4))
    cumA = cum[0:R]
    cumP = cum[2 * R:3 * R]
    P = jax.lax.dot_general(
        cntP, om, (((1,), (0,)), ((), ())),
        preferred_element_type=jnp.float32)
    cumB = cumA - cumP
    denom = jnp.maximum(P + cumB, 0.5)
    lo = (lax.broadcasted_iota(jnp.int32, (R, 128), 1) % K).astype(
        jnp.float32) * (1.0 / K)
    j0w = cumA / denom * (1.0 / K)
    cntN = cntA - cntP
    sumN = sumA - sumP
    corr = (sumP - cntP * lo) / denom \
        + (sumN - cntN * lo) * (P - cumP) / (denom * denom)
    present = (P > 0).astype(jnp.float32)
    loss_sum = jnp.sum((j0w + corr) * present)
    npresent = jnp.sum(present) * (1.0 / K)
    loss = loss_sum / jnp.maximum(npresent, 1.0)
    out_ref[...] = jnp.reshape(loss, (1, 1))


_sc_hist = pl.kernel(
    _sc_hist_body,
    out_type=jax.ShapeDtypeStruct((NW, TBL), jnp.float32),
    mesh=plsc.VectorSubcoreMesh(
        core_axis_name="c", subcore_axis_name="s",
        num_cores=NCORES, num_subcores=NSUB),
    compiler_params=pltpu.CompilerParams(needs_layout_passes=False),
    scratch_types=[
        pltpu.VMEM((EPC,), jnp.float32),
        pltpu.VMEM((CHUNK,), jnp.int32),
        pltpu.VMEM((TBL,), jnp.float32),
    ],
)

_finish = pl.pallas_call(
    _finish_body,
    out_shape=jax.ShapeDtypeStruct((1, 1), jnp.float32),
)


@jax.jit
def kernel(output, target):
    hist = _sc_hist(output.reshape(-1), target)
    loss = _finish(hist)
    return loss.reshape(())

# --- scband reference (transcript-rebuilt; emitter-appended) ---
"""Pipeline reference for scband-lovasz-softmax-loss-16681652977921 (READ-ONLY COPY).

The authoritative reference and input builder live on the scoring server;
editing this copy changes nothing except your own understanding.
"""

import jax, jax.numpy as jnp
import numpy as np

N = 131072
C = 19

def setup_inputs(seed: int = 0) -> dict:
    key = jax.random.key(seed)
    k1, k2 = jax.random.split(key)
    output = jax.random.normal(k1, (N, C), dtype=jnp.float32)
    target = jax.random.randint(k2, (N,), 0, C, dtype=jnp.int32)
    return {"output": output, "target": target}


def _lovasz_grad(fg_sorted):
    gts = jnp.sum(fg_sorted)
    intersection = gts - jnp.cumsum(fg_sorted)
    union = gts + jnp.cumsum(1.0 - fg_sorted)
    jaccard = 1.0 - intersection / union
    jaccard = jnp.concatenate([jaccard[:1], jaccard[1:] - jaccard[:-1]])
    return jaccard


def reference(output, target):
    probs = jax.nn.softmax(output, axis=-1)
    labels = jax.nn.one_hot(target, output.shape[1], dtype=jnp.float32)
    num_classes = probs.shape[1]
    losses = []
    presents = []
    for c in range(num_classes):
        fg = labels[:, c]
        errors = jnp.abs(fg - probs[:, c])
        perm = jnp.argsort(-errors)  # descending sort permutation
        errors_sorted = errors[perm]
        fg_sorted = fg[perm]
        grad = _lovasz_grad(fg_sorted)
        losses.append(jnp.dot(grad, errors_sorted))
        presents.append(jnp.sum(fg) > 0)
    losses = jnp.stack(losses)
    present = jnp.stack(presents).astype(jnp.float32)
    # torch version skips absent classes; emulate with a mask (all classes
    # are present w.h.p. for random targets with N >> C)
    loss = jnp.sum(losses * present) / jnp.maximum(jnp.sum(present), 1.0)
    return loss

if __name__ == "__main__":
    import jax
    _d = setup_inputs()
    print(jax.jit(kernel)(*tuple(_d.values())))

</pallas_src>

<mosaic_0001>
#map = affine_map<(d0, d1) -> (0)>
#map1 = affine_map<(d0, d1) -> (0, 0)>
module attributes {stable_mosaic.version = 14 : i64} {
  func.func @_sc_hist_body(%arg0: i32, %arg1: i32, %arg2: memref<2490368xf32, #tpu.memory_space<hbm>>, %arg3: memref<131072xi32, #tpu.memory_space<hbm>>, %arg4: memref<32x81920xf32, #tpu.memory_space<hbm>>, %arg5: memref<38912xf32, #tpu.memory_space<vmem>>, %arg6: memref<2048xi32, #tpu.memory_space<vmem>>, %arg7: memref<81920xf32, #tpu.memory_space<vmem>>) attributes {dimension_semantics = [#tpu.dimension_semantics<core_parallel>, #tpu.dimension_semantics<subcore_parallel>], iteration_bounds = array<i64: 2, 16>, scalar_prefetch = 0 : i64, scratch_operands = 3 : i64, tpu.core_type = #tpu.core_type<sc_vector_subcore>, window_params = [{transform_indices = #map}, {transform_indices = #map}, {transform_indices = #map1}]} {
    %mul3A = arith.constant 2 : i32
    %mul3A_0 = arith.muli %arg1, %mul3A : i32
    %add3A = arith.addi %mul3A_0, %arg0 : i32
    %iota3A = tpu.iota {dimensions = array<i32: 0>} : vector<16xi32>
    %broadcast_in_dim3A = arith.constant 0.000000e+00 : f32
    %broadcast_in_dim3A_1 = vector.broadcast %broadcast_in_dim3A : f32 to vector<16xf32>
    %broadcast_in_dim3A_2 = arith.constant 1.000000e+00 : f32
    %broadcast_in_dim3A_3 = vector.broadcast %broadcast_in_dim3A_2 : f32 to vector<16xf32>
    %mul3A_4 = arith.constant 5120 : i32
    %mul3A_5 = vector.broadcast %mul3A_4 : i32 to vector<16xi32>
    %mul3A_6 = arith.muli %iota3A, %mul3A_5 : vector<16xi32>
    %scan3A = arith.constant 0 : i32
    %scan3A_7 = arith.constant 0 : i32
    %scan3A_8 = arith.constant 5120 : i32
    %scan3A_9 = arith.addi %scan3A_7, %scan3A_8 : i32
    %scan3A_10 = arith.constant 8 : i32
    scf.for %scan3A_18 = %scan3A_7 to %scan3A_9 step %scan3A_10  : i32 {
      %mul3A_19 = arith.constant 16 : i32
      %mul3A_20 = arith.muli %scan3A_18, %mul3A_19 : i32
      %swap3A = arith.index_cast %mul3A_20 : i32 to index
      %swap3A_21 = tpu.vector_load %arg7[%swap3A] {strides = array<i32>} : memref<81920xf32, #tpu.memory_space<vmem>>, vector<16xf32>,
      tpu.vector_store %arg7[%swap3A], %broadcast_in_dim3A_1 {strides = array<i32>} : memref<81920xf32, #tpu.memory_space<vmem>>, vector<16xf32>,
      %scan3A_22 = arith.constant 1 : i32
      %scan3A_23 = arith.addi %scan3A_18, %scan3A_22 : i32
      %mul3A_24 = arith.constant 16 : i32
      %mul3A_25 = arith.muli %scan3A_23, %mul3A_24 : i32
      %swap3A_26 = arith.index_cast %mul3A_25 : i32 to index
      %swap3A_27 = tpu.vector_load %arg7[%swap3A_26] {strides = array<i32>} : memref<81920xf32, #tpu.memory_space<vmem>>, vector<16xf32>,
      tpu.vector_store %arg7[%swap3A_26], %broadcast_in_dim3A_1 {strides = array<i32>} : memref<81920xf32, #tpu.memory_space<vmem>>, vector<16xf32>,
      %scan3A_28 = arith.constant 2 : i32
      %scan3A_29 = arith.addi %scan3A_18, %scan3A_28 : i32
      %mul3A_30 = arith.constant 16 : i32
      %mul3A_31 = arith.muli %scan3A_29, %mul3A_30 : i32
      %swap3A_32 = arith.index_cast %mul3A_31 : i32 to index
      %swap3A_33 = tpu.vector_load %arg7[%swap3A_32] {strides = array<i32>} : memref<81920xf32, #tpu.memory_space<vmem>>, vector<16xf32>,
      tpu.vector_store %arg7[%swap3A_32], %broadcast_in_dim3A_1 {strides = array<i32>} : memref<81920xf32, #tpu.memory_space<vmem>>, vector<16xf32>,
      %scan3A_34 = arith.constant 3 : i32
      %scan3A_35 = arith.addi %scan3A_18, %scan3A_34 : i32
      %mul3A_36 = arith.constant 16 : i32
      %mul3A_37 = arith.muli %scan3A_35, %mul3A_36 : i32
      %swap3A_38 = arith.index_cast %mul3A_37 : i32 to index
      %swap3A_39 = tpu.vector_load %arg7[%swap3A_38] {strides = array<i32>} : memref<81920xf32, #tpu.memory_space<vmem>>, vector<16xf32>,
      tpu.vector_store %arg7[%swap3A_38], %broadcast_in_dim3A_1 {strides = array<i32>} : memref<81920xf32, #tpu.memory_space<vmem>>, vector<16xf32>,
      %scan3A_40 = arith.constant 4 : i32
      %scan3A_41 = arith.addi %scan3A_18, %scan3A_40 : i32
      %mul3A_42 = arith.constant 16 : i32
      %mul3A_43 = arith.muli %scan3A_41, %mul3A_42 : i32
      %swap3A_44 = arith.index_cast %mul3A_43 : i32 to index
      %swap3A_45 = tpu.vector_load %arg7[%swap3A_44] {strides = array<i32>} : memref<81920xf32, #tpu.memory_space<vmem>>, vector<16xf32>,
      tpu.vector_store %arg7[%swap3A_44], %broadcast_in_dim3A_1 {strides = array<i32>} : memref<81920xf32, #tpu.memory_space<vmem>>, vector<16xf32>,
      %scan3A_46 = arith.constant 5 : i32
      %scan3A_47 = arith.addi %scan3A_18, %scan3A_46 : i32
      %mul3A_48 = arith.constant 16 : i32
      %mul3A_49 = arith.muli %scan3A_47, %mul3A_48 : i32
      %swap3A_50 = arith.index_cast %mul3A_49 : i32 to index
      %swap3A_51 = tpu.vector_load %arg7[%swap3A_50] {strides = array<i32>} : memref<81920xf32, #tpu.memory_space<vmem>>, vector<16xf32>,
      tpu.vector_store %arg7[%swap3A_50], %broadcast_in_dim3A_1 {strides = array<i32>} : memref<81920xf32, #tpu.memory_space<vmem>>, vector<16xf32>,
      %scan3A_52 = arith.constant 6 : i32
      %scan3A_53 = arith.addi %scan3A_18, %scan3A_52 : i32
      %mul3A_54 = arith.constant 16 : i32
      %mul3A_55 = arith.muli %scan3A_53, %mul3A_54 : i32
      %swap3A_56 = arith.index_cast %mul3A_55 : i32 to index
      %swap3A_57 = tpu.vector_load %arg7[%swap3A_56] {strides = array<i32>} : memref<81920xf32, #tpu.memory_space<vmem>>, vector<16xf32>,
      tpu.vector_store %arg7[%swap3A_56], %broadcast_in_dim3A_1 {strides = array<i32>} : memref<81920xf32, #tpu.memory_space<vmem>>, vector<16xf32>,
      %scan3A_58 = arith.constant 7 : i32
      %scan3A_59 = arith.addi %scan3A_18, %scan3A_58 : i32
      %mul3A_60 = arith.constant 16 : i32
      %mul3A_61 = arith.muli %scan3A_59, %mul3A_60 : i32
      %swap3A_62 = arith.index_cast %mul3A_61 : i32 to index
      %swap3A_63 = tpu.vector_load %arg7[%swap3A_62] {strides = array<i32>} : memref<81920xf32, #tpu.memory_space<vmem>>, vector<16xf32>,
      tpu.vector_store %arg7[%swap3A_62], %broadcast_in_dim3A_1 {strides = array<i32>} : memref<81920xf32, #tpu.memory_space<vmem>>, vector<16xf32>,
    }
    %scan3A_11 = arith.constant 5120 : i32
    %scan3A_12 = arith.constant 0 : i32
    %scan3A_13 = arith.constant 0 : i32
    %scan3A_14 = arith.constant 2 : i32
    %scan3A_15 = arith.addi %scan3A_13, %scan3A_14 : i32
    %scan3A_16 = arith.constant 1 : i32
    scf.for %scan3A_18 = %scan3A_13 to %scan3A_15 step %scan3A_16  : i32 {
      %mul3A_19 = arith.constant 4096 : i32
      %mul3A_20 = arith.muli %add3A, %mul3A_19 : i32
      %mul3A_21 = arith.constant 2048 : i32
      %mul3A_22 = arith.muli %scan3A_18, %mul3A_21 : i32
      %add3A_23 = arith.addi %mul3A_20, %mul3A_22 : i32
      %mul3A_24 = arith.constant 19 : i32
      %mul3A_25 = arith.muli %add3A_23, %mul3A_24 : i32
      "tpu.region"() ({
        %run_scoped3A = tpu.sem_alloc : memref<!tpu.dma_semaphore, #tpu.memory_space<semaphore_mem>>
        %dma_start3A = tpu.memref_slice %arg2[%mul3A_25] : memref<2490368xf32, #tpu.memory_space<hbm>> -> memref<38912xf32, #tpu.memory_space<hbm>>
        %dma_start3A_32 = tpu.memref_slice %arg2[%mul3A_25] : memref<2490368xf32, #tpu.memory_space<hbm>> -> memref<38912xf32, #tpu.memory_space<hbm>>
        tpu.enqueue_dma source(%dma_start3A_32 : memref<38912xf32, #tpu.memory_space<hbm>>) target(%arg5 : memref<38912xf32, #tpu.memory_space<vmem>>) target_semaphore(%run_scoped3A : memref<!tpu.dma_semaphore, #tpu.memory_space<semaphore_mem>>)
        %dma_wait3A = tpu.memref_slice %arg2[%mul3A_25] : memref<2490368xf32, #tpu.memory_space<hbm>> -> memref<38912xf32, #tpu.memory_space<hbm>>
        %dma_wait3A_33 = tpu.memref_slice %arg2[%mul3A_25] : memref<2490368xf32, #tpu.memory_space<hbm>> -> memref<38912xf32, #tpu.memory_space<hbm>>
        tpu.wait_dma2 semaphore(%run_scoped3A : memref<!tpu.dma_semaphore, #tpu.memory_space<semaphore_mem>>) src(%dma_wait3A_33 : memref<38912xf32, #tpu.memory_space<hbm>>) dst(%arg5 : memref<38912xf32, #tpu.memory_space<vmem>>)
        tpu.yield
      }) : () -> ()
      "tpu.region"() ({
        %run_scoped3A = tpu.sem_alloc : memref<!tpu.dma_semaphore, #tpu.memory_space<semaphore_mem>>
        %dma_start3A = tpu.memref_slice %arg3[%add3A_23] : memref<131072xi32, #tpu.memory_space<hbm>> -> memref<2048xi32, #tpu.memory_space<hbm>>
        %dma_start3A_32 = tpu.memref_slice %arg3[%add3A_23] : memref<131072xi32, #tpu.memory_space<hbm>> -> memref<2048xi32, #tpu.memory_space<hbm>>
        tpu.enqueue_dma source(%dma_start3A_32 : memref<2048xi32, #tpu.memory_space<hbm>>) target(%arg6 : memref<2048xi32, #tpu.memory_space<vmem>>) target_semaphore(%run_scoped3A : memref<!tpu.dma_semaphore, #tpu.memory_space<semaphore_mem>>)
        %dma_wait3A = tpu.memref_slice %arg3[%add3A_23] : memref<131072xi32, #tpu.memory_space<hbm>> -> memref<2048xi32, #tpu.memory_space<hbm>>
        %dma_wait3A_33 = tpu.memref_slice %arg3[%add3A_23] : memref<131072xi32, #tpu.memory_space<hbm>> -> memref<2048xi32, #tpu.memory_space<hbm>>
        tpu.wait_dma2 semaphore(%run_scoped3A : memref<!tpu.dma_semaphore, #tpu.memory_space<semaphore_mem>>) src(%dma_wait3A_33 : memref<2048xi32, #tpu.memory_space<hbm>>) dst(%arg6 : memref<2048xi32, #tpu.memory_space<vmem>>)
        tpu.yield
      }) : () -> ()
      %scan3A_26 = arith.constant 0 : i32
      %scan3A_27 = arith.constant 0 : i32
      %scan3A_28 = arith.constant 128 : i32
      %scan3A_29 = arith.addi %scan3A_27, %scan3A_28 : i32
      %scan3A_30 = arith.constant 1 : i32
      scf.for %scan3A_32 = %scan3A_27 to %scan3A_29 step %scan3A_30  : i32 {
        %mul3A_33 = arith.constant 16 : i32
        %mul3A_34 = arith.muli %scan3A_32, %mul3A_33 : i32
        %add3A_35 = vector.broadcast %mul3A_34 : i32 to vector<16xi32>
        %add3A_36 = arith.addi %add3A_35, %iota3A : vector<16xi32>
        %mul3A_37 = arith.constant 19 : i32
        %mul3A_38 = vector.broadcast %mul3A_37 : i32 to vector<16xi32>
        %mul3A_39 = arith.muli %add3A_36, %mul3A_38 : vector<16xi32>
        %add3A_40 = arith.constant 0 : i32
        %add3A_41 = vector.broadcast %add3A_40 : i32 to vector<16xi32>
        %add3A_42 = arith.addi %mul3A_39, %add3A_41 : vector<16xi32>
        %gather3A = tpu.vector_load_idx %arg5[%add3A_42] : memref<38912xf32, #tpu.memory_space<vmem>>[vector<16xi32>], vector<16xf32>,
        %add3A_43 = arith.constant 1 : i32
        %add3A_44 = vector.broadcast %add3A_43 : i32 to vector<16xi32>
        %add3A_45 = arith.addi %mul3A_39, %add3A_44 : vector<16xi32>
        %gather3A_46 = tpu.vector_load_idx %arg5[%add3A_45] : memref<38912xf32, #tpu.memory_space<vmem>>[vector<16xi32>], vector<16xf32>,
        %add3A_47 = arith.constant 2 : i32
        %add3A_48 = vector.broadcast %add3A_47 : i32 to vector<16xi32>
        %add3A_49 = arith.addi %mul3A_39, %add3A_48 : vector<16xi32>
        %gather3A_50 = tpu.vector_load_idx %arg5[%add3A_49] : memref<38912xf32, #tpu.memory_space<vmem>>[vector<16xi32>], vector<16xf32>,
        %add3A_51 = arith.constant 3 : i32
        %add3A_52 = vector.broadcast %add3A_51 : i32 to vector<16xi32>
        %add3A_53 = arith.addi %mul3A_39, %add3A_52 : vector<16xi32>
        %gather3A_54 = tpu.vector_load_idx %arg5[%add3A_53] : memref<38912xf32, #tpu.memory_space<vmem>>[vector<16xi32>], vector<16xf32>,
        %add3A_55 = arith.constant 4 : i32
        %add3A_56 = vector.broadcast %add3A_55 : i32 to vector<16xi32>
        %add3A_57 = arith.addi %mul3A_39, %add3A_56 : vector<16xi32>
        %gather3A_58 = tpu.vector_load_idx %arg5[%add3A_57] : memref<38912xf32, #tpu.memory_space<vmem>>[vector<16xi32>], vector<16xf32>,
        %add3A_59 = arith.constant 5 : i32
        %add3A_60 = vector.broadcast %add3A_59 : i32 to vector<16xi32>
        %add3A_61 = arith.addi %mul3A_39, %add3A_60 : vector<16xi32>
        %gather3A_62 = tpu.vector_load_idx %arg5[%add3A_61] : memref<38912xf32, #tpu.memory_space<vmem>>[vector<16xi32>], vector<16xf32>,
        %add3A_63 = arith.constant 6 : i32
        %add3A_64 = vector.broadcast %add3A_63 : i32 to vector<16xi32>
        %add3A_65 = arith.addi %mul3A_39, %add3A_64 : vector<16xi32>
        %gather3A_66 = tpu.vector_load_idx %arg5[%add3A_65] : memref<38912xf32, #tpu.memory_space<vmem>>[vector<16xi32>], vector<16xf32>,
        %add3A_67 = arith.constant 7 : i32
        %add3A_68 = vector.broadcast %add3A_67 : i32 to vector<16xi32>
        %add3A_69 = arith.addi %mul3A_39, %add3A_68 : vector<16xi32>
        %gather3A_70 = tpu.vector_load_idx %arg5[%add3A_69] : memref<38912xf32, #tpu.memory_space<vmem>>[vector<16xi32>], vector<16xf32>,
        %add3A_71 = arith.constant 8 : i32
        %add3A_72 = vector.broadcast %add3A_71 : i32 to vector<16xi32>
        %add3A_73 = arith.addi %mul3A_39, %add3A_72 : vector<16xi32>
        %gather3A_74 = tpu.vector_load_idx %arg5[%add3A_73] : memref<38912xf32, #tpu.memory_space<vmem>>[vector<16xi32>], vector<16xf32>,
        %add3A_75 = arith.constant 9 : i32
        %add3A_76 = vector.broadcast %add3A_75 : i32 to vector<16xi32>
        %add3A_77 = arith.addi %mul3A_39, %add3A_76 : vector<16xi32>
        %gather3A_78 = tpu.vector_load_idx %arg5[%add3A_77] : memref<38912xf32, #tpu.memory_space<vmem>>[vector<16xi32>], vector<16xf32>,
        %add3A_79 = arith.constant 10 : i32
        %add3A_80 = vector.broadcast %add3A_79 : i32 to vector<16xi32>
        %add3A_81 = arith.addi %mul3A_39, %add3A_80 : vector<16xi32>
        %gather3A_82 = tpu.vector_load_idx %arg5[%add3A_81] : memref<38912xf32, #tpu.memory_space<vmem>>[vector<16xi32>], vector<16xf32>,
        %add3A_83 = arith.constant 11 : i32
        %add3A_84 = vector.broadcast %add3A_83 : i32 to vector<16xi32>
        %add3A_85 = arith.addi %mul3A_39, %add3A_84 : vector<16xi32>
        %gather3A_86 = tpu.vector_load_idx %arg5[%add3A_85] : memref<38912xf32, #tpu.memory_space<vmem>>[vector<16xi32>], vector<16xf32>,
        %add3A_87 = arith.constant 12 : i32
        %add3A_88 = vector.broadcast %add3A_87 : i32 to vector<16xi32>
        %add3A_89 = arith.addi %mul3A_39, %add3A_88 : vector<16xi32>
        %gather3A_90 = tpu.vector_load_idx %arg5[%add3A_89] : memref<38912xf32, #tpu.memory_space<vmem>>[vector<16xi32>], vector<16xf32>,
        %add3A_91 = arith.constant 13 : i32
        %add3A_92 = vector.broadcast %add3A_91 : i32 to vector<16xi32>
        %add3A_93 = arith.addi %mul3A_39, %add3A_92 : vector<16xi32>
        %gather3A_94 = tpu.vector_load_idx %arg5[%add3A_93] : memref<38912xf32, #tpu.memory_space<vmem>>[vector<16xi32>], vector<16xf32>,
        %add3A_95 = arith.constant 14 : i32
        %add3A_96 = vector.broadcast %add3A_95 : i32 to vector<16xi32>
        %add3A_97 = arith.addi %mul3A_39, %add3A_96 : vector<16xi32>
        %gather3A_98 = tpu.vector_load_idx %arg5[%add3A_97] : memref<38912xf32, #tpu.memory_space<vmem>>[vector<16xi32>], vector<16xf32>,
        %add3A_99 = arith.constant 15 : i32
        %add3A_100 = vector.broadcast %add3A_99 : i32 to vector<16xi32>
        %add3A_101 = arith.addi %mul3A_39, %add3A_100 : vector<16xi32>
        %gather3A_102 = tpu.vector_load_idx %arg5[%add3A_101] : memref<38912xf32, #tpu.memory_space<vmem>>[vector<16xi32>], vector<16xf32>,
        %add3A_103 = arith.constant 16 : i32
        %add3A_104 = vector.broadcast %add3A_103 : i32 to vector<16xi32>
        %add3A_105 = arith.addi %mul3A_39, %add3A_104 : vector<16xi32>
        %gather3A_106 = tpu.vector_load_idx %arg5[%add3A_105] : memref<38912xf32, #tpu.memory_space<vmem>>[vector<16xi32>], vector<16xf32>,
        %add3A_107 = arith.constant 17 : i32
        %add3A_108 = vector.broadcast %add3A_107 : i32 to vector<16xi32>
        %add3A_109 = arith.addi %mul3A_39, %add3A_108 : vector<16xi32>
        %gather3A_110 = tpu.vector_load_idx %arg5[%add3A_109] : memref<38912xf32, #tpu.memory_space<vmem>>[vector<16xi32>], vector<16xf32>,
        %add3A_111 = arith.constant 18 : i32
        %add3A_112 = vector.broadcast %add3A_111 : i32 to vector<16xi32>
        %add3A_113 = arith.addi %mul3A_39, %add3A_112 : vector<16xi32>
        %gather3A_114 = tpu.vector_load_idx %arg5[%add3A_113] : memref<38912xf32, #tpu.memory_space<vmem>>[vector<16xi32>], vector<16xf32>,
        %exp3A = math.exp %gather3A : vector<16xf32>
        %exp3A_115 = math.exp %gather3A_46 : vector<16xf32>
        %exp3A_116 = math.exp %gather3A_50 : vector<16xf32>
        %exp3A_117 = math.exp %gather3A_54 : vector<16xf32>
        %exp3A_118 = math.exp %gather3A_58 : vector<16xf32>
        %exp3A_119 = math.exp %gather3A_62 : vector<16xf32>
        %exp3A_120 = math.exp %gather3A_66 : vector<16xf32>
        %exp3A_121 = math.exp %gather3A_70 : vector<16xf32>
        %exp3A_122 = math.exp %gather3A_74 : vector<16xf32>
        %exp3A_123 = math.exp %gather3A_78 : vector<16xf32>
        %exp3A_124 = math.exp %gather3A_82 : vector<16xf32>
        %exp3A_125 = math.exp %gather3A_86 : vector<16xf32>
        %exp3A_126 = math.exp %gather3A_90 : vector<16xf32>
        %exp3A_127 = math.exp %gather3A_94 : vector<16xf32>
        %exp3A_128 = math.exp %gather3A_98 : vector<16xf32>
        %exp3A_129 = math.exp %gather3A_102 : vector<16xf32>
        %exp3A_130 = math.exp %gather3A_106 : vector<16xf32>
        %exp3A_131 = math.exp %gather3A_110 : vector<16xf32>
        %exp3A_132 = math.exp %gather3A_114 : vector<16xf32>
        %add3A_133 = arith.addf %exp3A, %exp3A_115 : vector<16xf32>
        %add3A_134 = arith.addf %add3A_133, %exp3A_116 : vector<16xf32>
        %add3A_135 = arith.addf %add3A_134, %exp3A_117 : vector<16xf32>
        %add3A_136 = arith.addf %add3A_135, %exp3A_118 : vector<16xf32>
        %add3A_137 = arith.addf %add3A_136, %exp3A_119 : vector<16xf32>
        %add3A_138 = arith.addf %add3A_137, %exp3A_120 : vector<16xf32>
        %add3A_139 = arith.addf %add3A_138, %exp3A_121 : vector<16xf32>
        %add3A_140 = arith.addf %add3A_139, %exp3A_122 : vector<16xf32>
        %add3A_141 = arith.addf %add3A_140, %exp3A_123 : vector<16xf32>
        %add3A_142 = arith.addf %add3A_141, %exp3A_124 : vector<16xf32>
        %add3A_143 = arith.addf %add3A_142, %exp3A_125 : vector<16xf32>
        %add3A_144 = arith.addf %add3A_143, %exp3A_126 : vector<16xf32>
        %add3A_145 = arith.addf %add3A_144, %exp3A_127 : vector<16xf32>
        %add3A_146 = arith.addf %add3A_145, %exp3A_128 : vector<16xf32>
        %add3A_147 = arith.addf %add3A_146, %exp3A_129 : vector<16xf32>
        %add3A_148 = arith.addf %add3A_147, %exp3A_130 : vector<16xf32>
        %add3A_149 = arith.addf %add3A_148, %exp3A_131 : vector<16xf32>
        %add3A_150 = arith.addf %add3A_149, %exp3A_132 : vector<16xf32>
        %div3A = arith.constant 1.000000e+00 : f32
        %div3A_151 = vector.broadcast %div3A : f32 to vector<16xf32>
        %div3A_152 = arith.divf %div3A_151, %add3A_150 : vector<16xf32>
        %get3A = arith.index_cast %mul3A_34 : i32 to index
        %get3A_153 = tpu.vector_load %arg6[%get3A] {strides = array<i32>} : memref<2048xi32, #tpu.memory_space<vmem>>, vector<16xi32>,
        %mul3A_154 = arith.mulf %exp3A, %div3A_152 : vector<16xf32>
        %eq3A = arith.constant 0 : i32
        %eq3A_155 = vector.broadcast %eq3A : i32 to vector<16xi32>
        %eq3A_156 = arith.cmpi eq, %get3A_153, %eq3A_155 : vector<16xi32>
        %sub3A = arith.constant 1.000000e+00 : f32
        %sub3A_157 = vector.broadcast %sub3A : f32 to vector<16xf32>
        %sub3A_158 = arith.subf %sub3A_157, %mul3A_154 : vector<16xf32>
        %select_n3A = arith.select %eq3A_156, %sub3A_158, %mul3A_154 : vector<16xi1>, vector<16xf32>
        %select_n3A_159 = arith.select %eq3A_156, %select_n3A, %broadcast_in_dim3A_1 : vector<16xi1>, vector<16xf32>
        %mul3A_160 = arith.constant 6.400000e+01 : f32
        %mul3A_161 = vector.broadcast %mul3A_160 : f32 to vector<16xf32>
        %mul3A_162 = arith.mulf %select_n3A, %mul3A_161 : vector<16xf32>
        %convert_element_type3A = arith.fptosi %mul3A_162 : vector<16xf32> to vector<16xi32>
        %min3A = arith.constant 63 : i32
        %min3A_163 = vector.broadcast %min3A : i32 to vector<16xi32>
        %min3A_164 = arith.minsi %convert_element_type3A, %min3A_163 : vector<16xi32>
        %add3A_165 = arith.constant 0 : i32
        %add3A_166 = vector.broadcast %add3A_165 : i32 to vector<16xi32>
        %add3A_167 = arith.addi %min3A_164, %add3A_166 : vector<16xi32>
        %add3A_168 = arith.addi %mul3A_6, %add3A_167 : vector<16xi32>
        tpu.vector_store_idx %arg7[%add3A_168], %broadcast_in_dim3A_3 {add = true} : memref<81920xf32, #tpu.memory_space<vmem>>[vector<16xi32>], vector<16xf32>,
        %add3A_169 = arith.constant 1280 : i32
        %add3A_170 = vector.broadcast %add3A_169 : i32 to vector<16xi32>
        %add3A_171 = arith.addi %add3A_168, %add3A_170 : vector<16xi32>
        tpu.vector_store_idx %arg7[%add3A_171], %select_n3A {add = true} : memref<81920xf32, #tpu.memory_space<vmem>>[vector<16xi32>], vector<16xf32>,
        %mul3A_172 = arith.mulf %exp3A_115, %div3A_152 : vector<16xf32>
        %eq3A_173 = arith.constant 1 : i32
        %eq3A_174 = vector.broadcast %eq3A_173 : i32 to vector<16xi32>
        %eq3A_175 = arith.cmpi eq, %get3A_153, %eq3A_174 : vector<16xi32>
        %sub3A_176 = arith.constant 1.000000e+00 : f32
        %sub3A_177 = vector.broadcast %sub3A_176 : f32 to vector<16xf32>
        %sub3A_178 = arith.subf %sub3A_177, %mul3A_172 : vector<16xf32>
        %select_n3A_179 = arith.select %eq3A_175, %sub3A_178, %mul3A_172 : vector<16xi1>, vector<16xf32>
        %select_n3A_180 = arith.select %eq3A_175, %select_n3A_179, %select_n3A_159 : vector<16xi1>, vector<16xf32>
        %mul3A_181 = arith.constant 6.400000e+01 : f32
        %mul3A_182 = vector.broadcast %mul3A_181 : f32 to vector<16xf32>
        %mul3A_183 = arith.mulf %select_n3A_179, %mul3A_182 : vector<16xf32>
        %convert_element_type3A_184 = arith.fptosi %mul3A_183 : vector<16xf32> to vector<16xi32>
        %min3A_185 = arith.constant 63 : i32
        %min3A_186 = vector.broadcast %min3A_185 : i32 to vector<16xi32>
        %min3A_187 = arith.minsi %convert_element_type3A_184, %min3A_186 : vector<16xi32>
        %add3A_188 = arith.constant 64 : i32
        %add3A_189 = vector.broadcast %add3A_188 : i32 to vector<16xi32>
        %add3A_190 = arith.addi %min3A_187, %add3A_189 : vector<16xi32>
        %add3A_191 = arith.addi %mul3A_6, %add3A_190 : vector<16xi32>
        tpu.vector_store_idx %arg7[%add3A_191], %broadcast_in_dim3A_3 {add = true} : memref<81920xf32, #tpu.memory_space<vmem>>[vector<16xi32>], vector<16xf32>,
        %add3A_192 = arith.constant 1280 : i32
        %add3A_193 = vector.broadcast %add3A_192 : i32 to vector<16xi32>
        %add3A_194 = arith.addi %add3A_191, %add3A_193 : vector<16xi32>
        tpu.vector_store_idx %arg7[%add3A_194], %select_n3A_179 {add = true} : memref<81920xf32, #tpu.memory_space<vmem>>[vector<16xi32>], vector<16xf32>,
        %mul3A_195 = arith.mulf %exp3A_116, %div3A_152 : vector<16xf32>
        %eq3A_196 = arith.constant 2 : i32
        %eq3A_197 = vector.broadcast %eq3A_196 : i32 to vector<16xi32>
        %eq3A_198 = arith.cmpi eq, %get3A_153, %eq3A_197 : vector<16xi32>
        %sub3A_199 = arith.constant 1.000000e+00 : f32
        %sub3A_200 = vector.broadcast %sub3A_199 : f32 to vector<16xf32>
        %sub3A_201 = arith.subf %sub3A_200, %mul3A_195 : vector<16xf32>
        %select_n3A_202 = arith.select %eq3A_198, %sub3A_201, %mul3A_195 : vector<16xi1>, vector<16xf32>
        %select_n3A_203 = arith.select %eq3A_198, %select_n3A_202, %select_n3A_180 : vector<16xi1>, vector<16xf32>
        %mul3A_204 = arith.constant 6.400000e+01 : f32
        %mul3A_205 = vector.broadcast %mul3A_204 : f32 to vector<16xf32>
        %mul3A_206 = arith.mulf %select_n3A_202, %mul3A_205 : vector<16xf32>
        %convert_element_type3A_207 = arith.fptosi %mul3A_206 : vector<16xf32> to vector<16xi32>
        %min3A_208 = arith.constant 63 : i32
        %min3A_209 = vector.broadcast %min3A_208 : i32 to vector<16xi32>
        %min3A_210 = arith.minsi %convert_element_type3A_207, %min3A_209 : vector<16xi32>
        %add3A_211 = arith.constant 128 : i32
        %add3A_212 = vector.broadcast %add3A_211 : i32 to vector<16xi32>
        %add3A_213 = arith.addi %min3A_210, %add3A_212 : vector<16xi32>
        %add3A_214 = arith.addi %mul3A_6, %add3A_213 : vector<16xi32>
        tpu.vector_store_idx %arg7[%add3A_214], %broadcast_in_dim3A_3 {add = true} : memref<81920xf32, #tpu.memory_space<vmem>>[vector<16xi32>], vector<16xf32>,
        %add3A_215 = arith.constant 1280 : i32
        %add3A_216 = vector.broadcast %add3A_215 : i32 to vector<16xi32>
        %add3A_217 = arith.addi %add3A_214, %add3A_216 : vector<16xi32>
        tpu.vector_store_idx %arg7[%add3A_217], %select_n3A_202 {add = true} : memref<81920xf32, #tpu.memory_space<vmem>>[vector<16xi32>], vector<16xf32>,
        %mul3A_218 = arith.mulf %exp3A_117, %div3A_152 : vector<16xf32>
        %eq3A_219 = arith.constant 3 : i32
        %eq3A_220 = vector.broadcast %eq3A_219 : i32 to vector<16xi32>
        %eq3A_221 = arith.cmpi eq, %get3A_153, %eq3A_220 : vector<16xi32>
        %sub3A_222 = arith.constant 1.000000e+00 : f32
        %sub3A_223 = vector.broadcast %sub3A_222 : f32 to vector<16xf32>
        %sub3A_224 = arith.subf %sub3A_223, %mul3A_218 : vector<16xf32>
        %select_n3A_225 = arith.select %eq3A_221, %sub3A_224, %mul3A_218 : vector<16xi1>, vector<16xf32>
        %select_n3A_226 = arith.select %eq3A_221, %select_n3A_225, %select_n3A_203 : vector<16xi1>, vector<16xf32>
        %mul3A_227 = arith.constant 6.400000e+01 : f32
        %mul3A_228 = vector.broadcast %mul3A_227 : f32 to vector<16xf32>
        %mul3A_229 = arith.mulf %select_n3A_225, %mul3A_228 : vector<16xf32>
        %convert_element_type3A_230 = arith.fptosi %mul3A_229 : vector<16xf32> to vector<16xi32>
        %min3A_231 = arith.constant 63 : i32
        %min3A_232 = vector.broadcast %min3A_231 : i32 to vector<16xi32>
        %min3A_233 = arith.minsi %convert_element_type3A_230, %min3A_232 : vector<16xi32>
        %add3A_234 = arith.constant 192 : i32
        %add3A_235 = vector.broadcast %add3A_234 : i32 to vector<16xi32>
        %add3A_236 = arith.addi %min3A_233, %add3A_235 : vector<16xi32>
        %add3A_237 = arith.addi %mul3A_6, %add3A_236 : vector<16xi32>
        tpu.vector_store_idx %arg7[%add3A_237], %broadcast_in_dim3A_3 {add = true} : memref<81920xf32, #tpu.memory_space<vmem>>[vector<16xi32>], vector<16xf32>,
        %add3A_238 = arith.constant 1280 : i32
        %add3A_239 = vector.broadcast %add3A_238 : i32 to vector<16xi32>
        %add3A_240 = arith.addi %add3A_237, %add3A_239 : vector<16xi32>
        tpu.vector_store_idx %arg7[%add3A_240], %select_n3A_225 {add = true} : memref<81920xf32, #tpu.memory_space<vmem>>[vector<16xi32>], vector<16xf32>,
        %mul3A_241 = arith.mulf %exp3A_118, %div3A_152 : vector<16xf32>
        %eq3A_242 = arith.constant 4 : i32
        %eq3A_243 = vector.broadcast %eq3A_242 : i32 to vector<16xi32>
        %eq3A_244 = arith.cmpi eq, %get3A_153, %eq3A_243 : vector<16xi32>
        %sub3A_245 = arith.constant 1.000000e+00 : f32
        %sub3A_246 = vector.broadcast %sub3A_245 : f32 to vector<16xf32>
        %sub3A_247 = arith.subf %sub3A_246, %mul3A_241 : vector<16xf32>
        %select_n3A_248 = arith.select %eq3A_244, %sub3A_247, %mul3A_241 : vector<16xi1>, vector<16xf32>
        %select_n3A_249 = arith.select %eq3A_244, %select_n3A_248, %select_n3A_226 : vector<16xi1>, vector<16xf32>
        %mul3A_250 = arith.constant 6.400000e+01 : f32
        %mul3A_251 = vector.broadcast %mul3A_250 : f32 to vector<16xf32>
        %mul3A_252 = arith.mulf %select_n3A_248, %mul3A_251 : vector<16xf32>
        %convert_element_type3A_253 = arith.fptosi %mul3A_252 : vector<16xf32> to vector<16xi32>
        %min3A_254 = arith.constant 63 : i32
        %min3A_255 = vector.broadcast %min3A_254 : i32 to vector<16xi32>
        %min3A_256 = arith.minsi %convert_element_type3A_253, %min3A_255 : vector<16xi32>
        %add3A_257 = arith.constant 256 : i32
        %add3A_258 = vector.broadcast %add3A_257 : i32 to vector<16xi32>
        %add3A_259 = arith.addi %min3A_256, %add3A_258 : vector<16xi32>
        %add3A_260 = arith.addi %mul3A_6, %add3A_259 : vector<16xi32>
        tpu.vector_store_idx %arg7[%add3A_260], %broadcast_in_dim3A_3 {add = true} : memref<81920xf32, #tpu.memory_space<vmem>>[vector<16xi32>], vector<16xf32>,
        %add3A_261 = arith.constant 1280 : i32
        %add3A_262 = vector.broadcast %add3A_261 : i32 to vector<16xi32>
        %add3A_263 = arith.addi %add3A_260, %add3A_262 : vector<16xi32>
        tpu.vector_store_idx %arg7[%add3A_263], %select_n3A_248 {add = true} : memref<81920xf32, #tpu.memory_space<vmem>>[vector<16xi32>], vector<16xf32>,
        %mul3A_264 = arith.mulf %exp3A_119, %div3A_152 : vector<16xf32>
        %eq3A_265 = arith.constant 5 : i32
        %eq3A_266 = vector.broadcast %eq3A_265 : i32 to vector<16xi32>
        %eq3A_267 = arith.cmpi eq, %get3A_153, %eq3A_266 : vector<16xi32>
        %sub3A_268 = arith.constant 1.000000e+00 : f32
        %sub3A_269 = vector.broadcast %sub3A_268 : f32 to vector<16xf32>
        %sub3A_270 = arith.subf %sub3A_269, %mul3A_264 : vector<16xf32>
        %select_n3A_271 = arith.select %eq3A_267, %sub3A_270, %mul3A_264 : vector<16xi1>, vector<16xf32>
        %select_n3A_272 = arith.select %eq3A_267, %select_n3A_271, %select_n3A_249 : vector<16xi1>, vector<16xf32>
        %mul3A_273 = arith.constant 6.400000e+01 : f32
        %mul3A_274 = vector.broadcast %mul3A_273 : f32 to vector<16xf32>
        %mul3A_275 = arith.mulf %select_n3A_271, %mul3A_274 : vector<16xf32>
        %convert_element_type3A_276 = arith.fptosi %mul3A_275 : vector<16xf32> to vector<16xi32>
        %min3A_277 = arith.constant 63 : i32
        %min3A_278 = vector.broadcast %min3A_277 : i32 to vector<16xi32>
        %min3A_279 = arith.minsi %convert_element_type3A_276, %min3A_278 : vector<16xi32>
        %add3A_280 = arith.constant 320 : i32
        %add3A_281 = vector.broadcast %add3A_280 : i32 to vector<16xi32>
        %add3A_282 = arith.addi %min3A_279, %add3A_281 : vector<16xi32>
        %add3A_283 = arith.addi %mul3A_6, %add3A_282 : vector<16xi32>
        tpu.vector_store_idx %arg7[%add3A_283], %broadcast_in_dim3A_3 {add = true} : memref<81920xf32, #tpu.memory_space<vmem>>[vector<16xi32>], vector<16xf32>,
        %add3A_284 = arith.constant 1280 : i32
        %add3A_285 = vector.broadcast %add3A_284 : i32 to vector<16xi32>
        %add3A_286 = arith.addi %add3A_283, %add3A_285 : vector<16xi32>
        tpu.vector_store_idx %arg7[%add3A_286], %select_n3A_271 {add = true} : memref<81920xf32, #tpu.memory_space<vmem>>[vector<16xi32>], vector<16xf32>,
        %mul3A_287 = arith.mulf %exp3A_120, %div3A_152 : vector<16xf32>
        %eq3A_288 = arith.constant 6 : i32
        %eq3A_289 = vector.broadcast %eq3A_288 : i32 to vector<16xi32>
        %eq3A_290 = arith.cmpi eq, %get3A_153, %eq3A_289 : vector<16xi32>
        %sub3A_291 = arith.constant 1.000000e+00 : f32
        %sub3A_292 = vector.broadcast %sub3A_291 : f32 to vector<16xf32>
        %sub3A_293 = arith.subf %sub3A_292, %mul3A_287 : vector<16xf32>
        %select_n3A_294 = arith.select %eq3A_290, %sub3A_293, %mul3A_287 : vector<16xi1>, vector<16xf32>
        %select_n3A_295 = arith.select %eq3A_290, %select_n3A_294, %select_n3A_272 : vector<16xi1>, vector<16xf32>
        %mul3A_296 = arith.constant 6.400000e+01 : f32
        %mul3A_297 = vector.broadcast %mul3A_296 : f32 to vector<16xf32>
        %mul3A_298 = arith.mulf %select_n3A_294, %mul3A_297 : vector<16xf32>
        %convert_element_type3A_299 = arith.fptosi %mul3A_298 : vector<16xf32> to vector<16xi32>
        %min3A_300 = arith.constant 63 : i32
        %min3A_301 = vector.broadcast %min3A_300 : i32 to vector<16xi32>
        %min3A_302 = arith.minsi %convert_element_type3A_299, %min3A_301 : vector<16xi32>
        %add3A_303 = arith.constant 384 : i32
        %add3A_304 = vector.broadcast %add3A_303 : i32 to vector<16xi32>
        %add3A_305 = arith.addi %min3A_302, %add3A_304 : vector<16xi32>
        %add3A_306 = arith.addi %mul3A_6, %add3A_305 : vector<16xi32>
        tpu.vector_store_idx %arg7[%add3A_306], %broadcast_in_dim3A_3 {add = true} : memref<81920xf32, #tpu.memory_space<vmem>>[vector<16xi32>], vector<16xf32>,
        %add3A_307 = arith.constant 1280 : i32
        %add3A_308 = vector.broadcast %add3A_307 : i32 to vector<16xi32>
        %add3A_309 = arith.addi %add3A_306, %add3A_308 : vector<16xi32>
        tpu.vector_store_idx %arg7[%add3A_309], %select_n3A_294 {add = true} : memref<81920xf32, #tpu.memory_space<vmem>>[vector<16xi32>], vector<16xf32>,
        %mul3A_310 = arith.mulf %exp3A_121, %div3A_152 : vector<16xf32>
        %eq3A_311 = arith.constant 7 : i32
        %eq3A_312 = vector.broadcast %eq3A_311 : i32 to vector<16xi32>
        %eq3A_313 = arith.cmpi eq, %get3A_153, %eq3A_312 : vector<16xi32>
        %sub3A_314 = arith.constant 1.000000e+00 : f32
        %sub3A_315 = vector.broadcast %sub3A_314 : f32 to vector<16xf32>
        %sub3A_316 = arith.subf %sub3A_315, %mul3A_310 : vector<16xf32>
        %select_n3A_317 = arith.select %eq3A_313, %sub3A_316, %mul3A_310 : vector<16xi1>, vector<16xf32>
        %select_n3A_318 = arith.select %eq3A_313, %select_n3A_317, %select_n3A_295 : vector<16xi1>, vector<16xf32>
        %mul3A_319 = arith.constant 6.400000e+01 : f32
        %mul3A_320 = vector.broadcast %mul3A_319 : f32 to vector<16xf32>
        %mul3A_321 = arith.mulf %select_n3A_317, %mul3A_320 : vector<16xf32>
        %convert_element_type3A_322 = arith.fptosi %mul3A_321 : vector<16xf32> to vector<16xi32>
        %min3A_323 = arith.constant 63 : i32
        %min3A_324 = vector.broadcast %min3A_323 : i32 to vector<16xi32>
        %min3A_325 = arith.minsi %convert_element_type3A_322, %min3A_324 : vector<16xi32>
        %add3A_326 = arith.constant 448 : i32
        %add3A_327 = vector.broadcast %add3A_326 : i32 to vector<16xi32>
        %add3A_328 = arith.addi %min3A_325, %add3A_327 : vector<16xi32>
        %add3A_329 = arith.addi %mul3A_6, %add3A_328 : vector<16xi32>
        tpu.vector_store_idx %arg7[%add3A_329], %broadcast_in_dim3A_3 {add = true} : memref<81920xf32, #tpu.memory_space<vmem>>[vector<16xi32>], vector<16xf32>,
        %add3A_330 = arith.constant 1280 : i32
        %add3A_331 = vector.broadcast %add3A_330 : i32 to vector<16xi32>
        %add3A_332 = arith.addi %add3A_329, %add3A_331 : vector<16xi32>
        tpu.vector_store_idx %arg7[%add3A_332], %select_n3A_317 {add = true} : memref<81920xf32, #tpu.memory_space<vmem>>[vector<16xi32>], vector<16xf32>,
        %mul3A_333 = arith.mulf %exp3A_122, %div3A_152 : vector<16xf32>
        %eq3A_334 = arith.constant 8 : i32
        %eq3A_335 = vector.broadcast %eq3A_334 : i32 to vector<16xi32>
        %eq3A_336 = arith.cmpi eq, %get3A_153, %eq3A_335 : vector<16xi32>
        %sub3A_337 = arith.constant 1.000000e+00 : f32
        %sub3A_338 = vector.broadcast %sub3A_337 : f32 to vector<16xf32>
        %sub3A_339 = arith.subf %sub3A_338, %mul3A_333 : vector<16xf32>
        %select_n3A_340 = arith.select %eq3A_336, %sub3A_339, %mul3A_333 : vector<16xi1>, vector<16xf32>
        %select_n3A_341 = arith.select %eq3A_336, %select_n3A_340, %select_n3A_318 : vector<16xi1>, vector<16xf32>
        %mul3A_342 = arith.constant 6.400000e+01 : f32
        %mul3A_343 = vector.broadcast %mul3A_342 : f32 to vector<16xf32>
        %mul3A_344 = arith.mulf %select_n3A_340, %mul3A_343 : vector<16xf32>
        %convert_element_type3A_345 = arith.fptosi %mul3A_344 : vector<16xf32> to vector<16xi32>
        %min3A_346 = arith.constant 63 : i32
        %min3A_347 = vector.broadcast %min3A_346 : i32 to vector<16xi32>
        %min3A_348 = arith.minsi %convert_element_type3A_345, %min3A_347 : vector<16xi32>
        %add3A_349 = arith.constant 512 : i32
        %add3A_350 = vector.broadcast %add3A_349 : i32 to vector<16xi32>
        %add3A_351 = arith.addi %min3A_348, %add3A_350 : vector<16xi32>
        %add3A_352 = arith.addi %mul3A_6, %add3A_351 : vector<16xi32>
        tpu.vector_store_idx %arg7[%add3A_352], %broadcast_in_dim3A_3 {add = true} : memref<81920xf32, #tpu.memory_space<vmem>>[vector<16xi32>], vector<16xf32>,
        %add3A_353 = arith.constant 1280 : i32
        %add3A_354 = vector.broadcast %add3A_353 : i32 to vector<16xi32>
        %add3A_355 = arith.addi %add3A_352, %add3A_354 : vector<16xi32>
        tpu.vector_store_idx %arg7[%add3A_355], %select_n3A_340 {add = true} : memref<81920xf32, #tpu.memory_space<vmem>>[vector<16xi32>], vector<16xf32>,
        %mul3A_356 = arith.mulf %exp3A_123, %div3A_152 : vector<16xf32>
        %eq3A_357 = arith.constant 9 : i32
        %eq3A_358 = vector.broadcast %eq3A_357 : i32 to vector<16xi32>
        %eq3A_359 = arith.cmpi eq, %get3A_153, %eq3A_358 : vector<16xi32>
        %sub3A_360 = arith.constant 1.000000e+00 : f32
        %sub3A_361 = vector.broadcast %sub3A_360 : f32 to vector<16xf32>
        %sub3A_362 = arith.subf %sub3A_361, %mul3A_356 : vector<16xf32>
        %select_n3A_363 = arith.select %eq3A_359, %sub3A_362, %mul3A_356 : vector<16xi1>, vector<16xf32>
        %select_n3A_364 = arith.select %eq3A_359, %select_n3A_363, %select_n3A_341 : vector<16xi1>, vector<16xf32>
        %mul3A_365 = arith.constant 6.400000e+01 : f32
        %mul3A_366 = vector.broadcast %mul3A_365 : f32 to vector<16xf32>
        %mul3A_367 = arith.mulf %select_n3A_363, %mul3A_366 : vector<16xf32>
        %convert_element_type3A_368 = arith.fptosi %mul3A_367 : vector<16xf32> to vector<16xi32>
        %min3A_369 = arith.constant 63 : i32
        %min3A_370 = vector.broadcast %min3A_369 : i32 to vector<16xi32>
        %min3A_371 = arith.minsi %convert_element_type3A_368, %min3A_370 : vector<16xi32>
        %add3A_372 = arith.constant 576 : i32
        %add3A_373 = vector.broadcast %add3A_372 : i32 to vector<16xi32>
        %add3A_374 = arith.addi %min3A_371, %add3A_373 : vector<16xi32>
        %add3A_375 = arith.addi %mul3A_6, %add3A_374 : vector<16xi32>
        tpu.vector_store_idx %arg7[%add3A_375], %broadcast_in_dim3A_3 {add = true} : memref<81920xf32, #tpu.memory_space<vmem>>[vector<16xi32>], vector<16xf32>,
        %add3A_376 = arith.constant 1280 : i32
        %add3A_377 = vector.broadcast %add3A_376 : i32 to vector<16xi32>
        %add3A_378 = arith.addi %add3A_375, %add3A_377 : vector<16xi32>
        tpu.vector_store_idx %arg7[%add3A_378], %select_n3A_363 {add = true} : memref<81920xf32, #tpu.memory_space<vmem>>[vector<16xi32>], vector<16xf32>,
        %mul3A_379 = arith.mulf %exp3A_124, %div3A_152 : vector<16xf32>
        %eq3A_380 = arith.constant 10 : i32
        %eq3A_381 = vector.broadcast %eq3A_380 : i32 to vector<16xi32>
        %eq3A_382 = arith.cmpi eq, %get3A_153, %eq3A_381 : vector<16xi32>
        %sub3A_383 = arith.constant 1.000000e+00 : f32
        %sub3A_384 = vector.broadcast %sub3A_383 : f32 to vector<16xf32>
        %sub3A_385 = arith.subf %sub3A_384, %mul3A_379 : vector<16xf32>
        %select_n3A_386 = arith.select %eq3A_382, %sub3A_385, %mul3A_379 : vector<16xi1>, vector<16xf32>
        %select_n3A_387 = arith.select %eq3A_382, %select_n3A_386, %select_n3A_364 : vector<16xi1>, vector<16xf32>
        %mul3A_388 = arith.constant 6.400000e+01 : f32
        %mul3A_389 = vector.broadcast %mul3A_388 : f32 to vector<16xf32>
        %mul3A_390 = arith.mulf %select_n3A_386, %mul3A_389 : vector<16xf32>
        %convert_element_type3A_391 = arith.fptosi %mul3A_390 : vector<16xf32> to vector<16xi32>
        %min3A_392 = arith.constant 63 : i32
        %min3A_393 = vector.broadcast %min3A_392 : i32 to vector<16xi32>
        %min3A_394 = arith.minsi %convert_element_type3A_391, %min3A_393 : vector<16xi32>
        %add3A_395 = arith.constant 640 : i32
        %add3A_396 = vector.broadcast %add3A_395 : i32 to vector<16xi32>
        %add3A_397 = arith.addi %min3A_394, %add3A_396 : vector<16xi32>
        %add3A_398 = arith.addi %mul3A_6, %add3A_397 : vector<16xi32>
        tpu.vector_store_idx %arg7[%add3A_398], %broadcast_in_dim3A_3 {add = true} : memref<81920xf32, #tpu.memory_space<vmem>>[vector<16xi32>], vector<16xf32>,
        %add3A_399 = arith.constant 1280 : i32
        %add3A_400 = vector.broadcast %add3A_399 : i32 to vector<16xi32>
        %add3A_401 = arith.addi %add3A_398, %add3A_400 : vector<16xi32>
        tpu.vector_store_idx %arg7[%add3A_401], %select_n3A_386 {add = true} : memref<81920xf32, #tpu.memory_space<vmem>>[vector<16xi32>], vector<16xf32>,
        %mul3A_402 = arith.mulf %exp3A_125, %div3A_152 : vector<16xf32>
        %eq3A_403 = arith.constant 11 : i32
        %eq3A_404 = vector.broadcast %eq3A_403 : i32 to vector<16xi32>
        %eq3A_405 = arith.cmpi eq, %get3A_153, %eq3A_404 : vector<16xi32>
        %sub3A_406 = arith.constant 1.000000e+00 : f32
        %sub3A_407 = vector.broadcast %sub3A_406 : f32 to vector<16xf32>
        %sub3A_408 = arith.subf %sub3A_407, %mul3A_402 : vector<16xf32>
        %select_n3A_409 = arith.select %eq3A_405, %sub3A_408, %mul3A_402 : vector<16xi1>, vector<16xf32>
        %select_n3A_410 = arith.select %eq3A_405, %select_n3A_409, %select_n3A_387 : vector<16xi1>, vector<16xf32>
        %mul3A_411 = arith.constant 6.400000e+01 : f32
        %mul3A_412 = vector.broadcast %mul3A_411 : f32 to vector<16xf32>
        %mul3A_413 = arith.mulf %select_n3A_409, %mul3A_412 : vector<16xf32>
        %convert_element_type3A_414 = arith.fptosi %mul3A_413 : vector<16xf32> to vector<16xi32>
        %min3A_415 = arith.constant 63 : i32
        %min3A_416 = vector.broadcast %min3A_415 : i32 to vector<16xi32>
        %min3A_417 = arith.minsi %convert_element_type3A_414, %min3A_416 : vector<16xi32>
        %add3A_418 = arith.constant 704 : i32
        %add3A_419 = vector.broadcast %add3A_418 : i32 to vector<16xi32>
        %add3A_420 = arith.addi %min3A_417, %add3A_419 : vector<16xi32>
        %add3A_421 = arith.addi %mul3A_6, %add3A_420 : vector<16xi32>
        tpu.vector_store_idx %arg7[%add3A_421], %broadcast_in_dim3A_3 {add = true} : memref<81920xf32, #tpu.memory_space<vmem>>[vector<16xi32>], vector<16xf32>,
        %add3A_422 = arith.constant 1280 : i32
        %add3A_423 = vector.broadcast %add3A_422 : i32 to vector<16xi32>
        %add3A_424 = arith.addi %add3A_421, %add3A_423 : vector<16xi32>
        tpu.vector_store_idx %arg7[%add3A_424], %select_n3A_409 {add = true} : memref<81920xf32, #tpu.memory_space<vmem>>[vector<16xi32>], vector<16xf32>,
        %mul3A_425 = arith.mulf %exp3A_126, %div3A_152 : vector<16xf32>
        %eq3A_426 = arith.constant 12 : i32
        %eq3A_427 = vector.broadcast %eq3A_426 : i32 to vector<16xi32>
        %eq3A_428 = arith.cmpi eq, %get3A_153, %eq3A_427 : vector<16xi32>
        %sub3A_429 = arith.constant 1.000000e+00 : f32
        %sub3A_430 = vector.broadcast %sub3A_429 : f32 to vector<16xf32>
        %sub3A_431 = arith.subf %sub3A_430, %mul3A_425 : vector<16xf32>
        %select_n3A_432 = arith.select %eq3A_428, %sub3A_431, %mul3A_425 : vector<16xi1>, vector<16xf32>
        %select_n3A_433 = arith.select %eq3A_428, %select_n3A_432, %select_n3A_410 : vector<16xi1>, vector<16xf32>
        %mul3A_434 = arith.constant 6.400000e+01 : f32
        %mul3A_435 = vector.broadcast %mul3A_434 : f32 to vector<16xf32>
        %mul3A_436 = arith.mulf %select_n3A_432, %mul3A_435 : vector<16xf32>
        %convert_element_type3A_437 = arith.fptosi %mul3A_436 : vector<16xf32> to vector<16xi32>
        %min3A_438 = arith.constant 63 : i32
        %min3A_439 = vector.broadcast %min3A_438 : i32 to vector<16xi32>
        %min3A_440 = arith.minsi %convert_element_type3A_437, %min3A_439 : vector<16xi32>
        %add3A_441 = arith.constant 768 : i32
        %add3A_442 = vector.broadcast %add3A_441 : i32 to vector<16xi32>
        %add3A_443 = arith.addi %min3A_440, %add3A_442 : vector<16xi32>
        %add3A_444 = arith.addi %mul3A_6, %add3A_443 : vector<16xi32>
        tpu.vector_store_idx %arg7[%add3A_444], %broadcast_in_dim3A_3 {add = true} : memref<81920xf32, #tpu.memory_space<vmem>>[vector<16xi32>], vector<16xf32>,
        %add3A_445 = arith.constant 1280 : i32
        %add3A_446 = vector.broadcast %add3A_445 : i32 to vector<16xi32>
        %add3A_447 = arith.addi %add3A_444, %add3A_446 : vector<16xi32>
        tpu.vector_store_idx %arg7[%add3A_447], %select_n3A_432 {add = true} : memref<81920xf32, #tpu.memory_space<vmem>>[vector<16xi32>], vector<16xf32>,
        %mul3A_448 = arith.mulf %exp3A_127, %div3A_152 : vector<16xf32>
        %eq3A_449 = arith.constant 13 : i32
        %eq3A_450 = vector.broadcast %eq3A_449 : i32 to vector<16xi32>
        %eq3A_451 = arith.cmpi eq, %get3A_153, %eq3A_450 : vector<16xi32>
        %sub3A_452 = arith.constant 1.000000e+00 : f32
        %sub3A_453 = vector.broadcast %sub3A_452 : f32 to vector<16xf32>
        %sub3A_454 = arith.subf %sub3A_453, %mul3A_448 : vector<16xf32>
        %select_n3A_455 = arith.select %eq3A_451, %sub3A_454, %mul3A_448 : vector<16xi1>, vector<16xf32>
        %select_n3A_456 = arith.select %eq3A_451, %select_n3A_455, %select_n3A_433 : vector<16xi1>, vector<16xf32>
        %mul3A_457 = arith.constant 6.400000e+01 : f32
        %mul3A_458 = vector.broadcast %mul3A_457 : f32 to vector<16xf32>
        %mul3A_459 = arith.mulf %select_n3A_455, %mul3A_458 : vector<16xf32>
        %convert_element_type3A_460 = arith.fptosi %mul3A_459 : vector<16xf32> to vector<16xi32>
        %min3A_461 = arith.constant 63 : i32
        %min3A_462 = vector.broadcast %min3A_461 : i32 to vector<16xi32>
        %min3A_463 = arith.minsi %convert_element_type3A_460, %min3A_462 : vector<16xi32>
        %add3A_464 = arith.constant 832 : i32
        %add3A_465 = vector.broadcast %add3A_464 : i32 to vector<16xi32>
        %add3A_466 = arith.addi %min3A_463, %add3A_465 : vector<16xi32>
        %add3A_467 = arith.addi %mul3A_6, %add3A_466 : vector<16xi32>
        tpu.vector_store_idx %arg7[%add3A_467], %broadcast_in_dim3A_3 {add = true} : memref<81920xf32, #tpu.memory_space<vmem>>[vector<16xi32>], vector<16xf32>,
        %add3A_468 = arith.constant 1280 : i32
        %add3A_469 = vector.broadcast %add3A_468 : i32 to vector<16xi32>
        %add3A_470 = arith.addi %add3A_467, %add3A_469 : vector<16xi32>
        tpu.vector_store_idx %arg7[%add3A_470], %select_n3A_455 {add = true} : memref<81920xf32, #tpu.memory_space<vmem>>[vector<16xi32>], vector<16xf32>,
        %mul3A_471 = arith.mulf %exp3A_128, %div3A_152 : vector<16xf32>
        %eq3A_472 = arith.constant 14 : i32
        %eq3A_473 = vector.broadcast %eq3A_472 : i32 to vector<16xi32>
        %eq3A_474 = arith.cmpi eq, %get3A_153, %eq3A_473 : vector<16xi32>
        %sub3A_475 = arith.constant 1.000000e+00 : f32
        %sub3A_476 = vector.broadcast %sub3A_475 : f32 to vector<16xf32>
        %sub3A_477 = arith.subf %sub3A_476, %mul3A_471 : vector<16xf32>
        %select_n3A_478 = arith.select %eq3A_474, %sub3A_477, %mul3A_471 : vector<16xi1>, vector<16xf32>
        %select_n3A_479 = arith.select %eq3A_474, %select_n3A_478, %select_n3A_456 : vector<16xi1>, vector<16xf32>
        %mul3A_480 = arith.constant 6.400000e+01 : f32
        %mul3A_481 = vector.broadcast %mul3A_480 : f32 to vector<16xf32>
        %mul3A_482 = arith.mulf %select_n3A_478, %mul3A_481 : vector<16xf32>
        %convert_element_type3A_483 = arith.fptosi %mul3A_482 : vector<16xf32> to vector<16xi32>
        %min3A_484 = arith.constant 63 : i32
        %min3A_485 = vector.broadcast %min3A_484 : i32 to vector<16xi32>
        %min3A_486 = arith.minsi %convert_element_type3A_483, %min3A_485 : vector<16xi32>
        %add3A_487 = arith.constant 896 : i32
        %add3A_488 = vector.broadcast %add3A_487 : i32 to vector<16xi32>
        %add3A_489 = arith.addi %min3A_486, %add3A_488 : vector<16xi32>
        %add3A_490 = arith.addi %mul3A_6, %add3A_489 : vector<16xi32>
        tpu.vector_store_idx %arg7[%add3A_490], %broadcast_in_dim3A_3 {add = true} : memref<81920xf32, #tpu.memory_space<vmem>>[vector<16xi32>], vector<16xf32>,
        %add3A_491 = arith.constant 1280 : i32
        %add3A_492 = vector.broadcast %add3A_491 : i32 to vector<16xi32>
        %add3A_493 = arith.addi %add3A_490, %add3A_492 : vector<16xi32>
        tpu.vector_store_idx %arg7[%add3A_493], %select_n3A_478 {add = true} : memref<81920xf32, #tpu.memory_space<vmem>>[vector<16xi32>], vector<16xf32>,
        %mul3A_494 = arith.mulf %exp3A_129, %div3A_152 : vector<16xf32>
        %eq3A_495 = arith.constant 15 : i32
        %eq3A_496 = vector.broadcast %eq3A_495 : i32 to vector<16xi32>
        %eq3A_497 = arith.cmpi eq, %get3A_153, %eq3A_496 : vector<16xi32>
        %sub3A_498 = arith.constant 1.000000e+00 : f32
        %sub3A_499 = vector.broadcast %sub3A_498 : f32 to vector<16xf32>
        %sub3A_500 = arith.subf %sub3A_499, %mul3A_494 : vector<16xf32>
        %select_n3A_501 = arith.select %eq3A_497, %sub3A_500, %mul3A_494 : vector<16xi1>, vector<16xf32>
        %select_n3A_502 = arith.select %eq3A_497, %select_n3A_501, %select_n3A_479 : vector<16xi1>, vector<16xf32>
        %mul3A_503 = arith.constant 6.400000e+01 : f32
        %mul3A_504 = vector.broadcast %mul3A_503 : f32 to vector<16xf32>
        %mul3A_505 = arith.mulf %select_n3A_501, %mul3A_504 : vector<16xf32>
        %convert_element_type3A_506 = arith.fptosi %mul3A_505 : vector<16xf32> to vector<16xi32>
        %min3A_507 = arith.constant 63 : i32
        %min3A_508 = vector.broadcast %min3A_507 : i32 to vector<16xi32>
        %min3A_509 = arith.minsi %convert_element_type3A_506, %min3A_508 : vector<16xi32>
        %add3A_510 = arith.constant 960 : i32
        %add3A_511 = vector.broadcast %add3A_510 : i32 to vector<16xi32>
        %add3A_512 = arith.addi %min3A_509, %add3A_511 : vector<16xi32>
        %add3A_513 = arith.addi %mul3A_6, %add3A_512 : vector<16xi32>
        tpu.vector_store_idx %arg7[%add3A_513], %broadcast_in_dim3A_3 {add = true} : memref<81920xf32, #tpu.memory_space<vmem>>[vector<16xi32>], vector<16xf32>,
        %add3A_514 = arith.constant 1280 : i32
        %add3A_515 = vector.broadcast %add3A_514 : i32 to vector<16xi32>
        %add3A_516 = arith.addi %add3A_513, %add3A_515 : vector<16xi32>
        tpu.vector_store_idx %arg7[%add3A_516], %select_n3A_501 {add = true} : memref<81920xf32, #tpu.memory_space<vmem>>[vector<16xi32>], vector<16xf32>,
        %mul3A_517 = arith.mulf %exp3A_130, %div3A_152 : vector<16xf32>
        %eq3A_518 = arith.constant 16 : i32
        %eq3A_519 = vector.broadcast %eq3A_518 : i32 to vector<16xi32>
        %eq3A_520 = arith.cmpi eq, %get3A_153, %eq3A_519 : vector<16xi32>
        %sub3A_521 = arith.constant 1.000000e+00 : f32
        %sub3A_522 = vector.broadcast %sub3A_521 : f32 to vector<16xf32>
        %sub3A_523 = arith.subf %sub3A_522, %mul3A_517 : vector<16xf32>
        %select_n3A_524 = arith.select %eq3A_520, %sub3A_523, %mul3A_517 : vector<16xi1>, vector<16xf32>
        %select_n3A_525 = arith.select %eq3A_520, %select_n3A_524, %select_n3A_502 : vector<16xi1>, vector<16xf32>
        %mul3A_526 = arith.constant 6.400000e+01 : f32
        %mul3A_527 = vector.broadcast %mul3A_526 : f32 to vector<16xf32>
        %mul3A_528 = arith.mulf %select_n3A_524, %mul3A_527 : vector<16xf32>
        %convert_element_type3A_529 = arith.fptosi %mul3A_528 : vector<16xf32> to vector<16xi32>
        %min3A_530 = arith.constant 63 : i32
        %min3A_531 = vector.broadcast %min3A_530 : i32 to vector<16xi32>
        %min3A_532 = arith.minsi %convert_element_type3A_529, %min3A_531 : vector<16xi32>
        %add3A_533 = arith.constant 1024 : i32
        %add3A_534 = vector.broadcast %add3A_533 : i32 to vector<16xi32>
        %add3A_535 = arith.addi %min3A_532, %add3A_534 : vector<16xi32>
        %add3A_536 = arith.addi %mul3A_6, %add3A_535 : vector<16xi32>
        tpu.vector_store_idx %arg7[%add3A_536], %broadcast_in_dim3A_3 {add = true} : memref<81920xf32, #tpu.memory_space<vmem>>[vector<16xi32>], vector<16xf32>,
        %add3A_537 = arith.constant 1280 : i32
        %add3A_538 = vector.broadcast %add3A_537 : i32 to vector<16xi32>
        %add3A_539 = arith.addi %add3A_536, %add3A_538 : vector<16xi32>
        tpu.vector_store_idx %arg7[%add3A_539], %select_n3A_524 {add = true} : memref<81920xf32, #tpu.memory_space<vmem>>[vector<16xi32>], vector<16xf32>,
        %mul3A_540 = arith.mulf %exp3A_131, %div3A_152 : vector<16xf32>
        %eq3A_541 = arith.constant 17 : i32
        %eq3A_542 = vector.broadcast %eq3A_541 : i32 to vector<16xi32>
        %eq3A_543 = arith.cmpi eq, %get3A_153, %eq3A_542 : vector<16xi32>
        %sub3A_544 = arith.constant 1.000000e+00 : f32
        %sub3A_545 = vector.broadcast %sub3A_544 : f32 to vector<16xf32>
        %sub3A_546 = arith.subf %sub3A_545, %mul3A_540 : vector<16xf32>
        %select_n3A_547 = arith.select %eq3A_543, %sub3A_546, %mul3A_540 : vector<16xi1>, vector<16xf32>
        %select_n3A_548 = arith.select %eq3A_543, %select_n3A_547, %select_n3A_525 : vector<16xi1>, vector<16xf32>
        %mul3A_549 = arith.constant 6.400000e+01 : f32
        %mul3A_550 = vector.broadcast %mul3A_549 : f32 to vector<16xf32>
        %mul3A_551 = arith.mulf %select_n3A_547, %mul3A_550 : vector<16xf32>
        %convert_element_type3A_552 = arith.fptosi %mul3A_551 : vector<16xf32> to vector<16xi32>
        %min3A_553 = arith.constant 63 : i32
        %min3A_554 = vector.broadcast %min3A_553 : i32 to vector<16xi32>
        %min3A_555 = arith.minsi %convert_element_type3A_552, %min3A_554 : vector<16xi32>
        %add3A_556 = arith.constant 1088 : i32
        %add3A_557 = vector.broadcast %add3A_556 : i32 to vector<16xi32>
        %add3A_558 = arith.addi %min3A_555, %add3A_557 : vector<16xi32>
        %add3A_559 = arith.addi %mul3A_6, %add3A_558 : vector<16xi32>
        tpu.vector_store_idx %arg7[%add3A_559], %broadcast_in_dim3A_3 {add = true} : memref<81920xf32, #tpu.memory_space<vmem>>[vector<16xi32>], vector<16xf32>,
        %add3A_560 = arith.constant 1280 : i32
        %add3A_561 = vector.broadcast %add3A_560 : i32 to vector<16xi32>
        %add3A_562 = arith.addi %add3A_559, %add3A_561 : vector<16xi32>
        tpu.vector_store_idx %arg7[%add3A_562], %select_n3A_547 {add = true} : memref<81920xf32, #tpu.memory_space<vmem>>[vector<16xi32>], vector<16xf32>,
        %mul3A_563 = arith.mulf %exp3A_132, %div3A_152 : vector<16xf32>
        %eq3A_564 = arith.constant 18 : i32
        %eq3A_565 = vector.broadcast %eq3A_564 : i32 to vector<16xi32>
        %eq3A_566 = arith.cmpi eq, %get3A_153, %eq3A_565 : vector<16xi32>
        %sub3A_567 = arith.constant 1.000000e+00 : f32
        %sub3A_568 = vector.broadcast %sub3A_567 : f32 to vector<16xf32>
        %sub3A_569 = arith.subf %sub3A_568, %mul3A_563 : vector<16xf32>
        %select_n3A_570 = arith.select %eq3A_566, %sub3A_569, %mul3A_563 : vector<16xi1>, vector<16xf32>
        %select_n3A_571 = arith.select %eq3A_566, %select_n3A_570, %select_n3A_548 : vector<16xi1>, vector<16xf32>
        %mul3A_572 = arith.constant 6.400000e+01 : f32
        %mul3A_573 = vector.broadcast %mul3A_572 : f32 to vector<16xf32>
        %mul3A_574 = arith.mulf %select_n3A_570, %mul3A_573 : vector<16xf32>
        %convert_element_type3A_575 = arith.fptosi %mul3A_574 : vector<16xf32> to vector<16xi32>
        %min3A_576 = arith.constant 63 : i32
        %min3A_577 = vector.broadcast %min3A_576 : i32 to vector<16xi32>
        %min3A_578 = arith.minsi %convert_element_type3A_575, %min3A_577 : vector<16xi32>
        %add3A_579 = arith.constant 1152 : i32
        %add3A_580 = vector.broadcast %add3A_579 : i32 to vector<16xi32>
        %add3A_581 = arith.addi %min3A_578, %add3A_580 : vector<16xi32>
        %add3A_582 = arith.addi %mul3A_6, %add3A_581 : vector<16xi32>
        tpu.vector_store_idx %arg7[%add3A_582], %broadcast_in_dim3A_3 {add = true} : memref<81920xf32, #tpu.memory_space<vmem>>[vector<16xi32>], vector<16xf32>,
        %add3A_583 = arith.constant 1280 : i32
        %add3A_584 = vector.broadcast %add3A_583 : i32 to vector<16xi32>
        %add3A_585 = arith.addi %add3A_582, %add3A_584 : vector<16xi32>
        tpu.vector_store_idx %arg7[%add3A_585], %select_n3A_570 {add = true} : memref<81920xf32, #tpu.memory_space<vmem>>[vector<16xi32>], vector<16xf32>,
        %mul3A_586 = arith.constant 6.400000e+01 : f32
        %mul3A_587 = vector.broadcast %mul3A_586 : f32 to vector<16xf32>
        %mul3A_588 = arith.mulf %select_n3A_571, %mul3A_587 : vector<16xf32>
        %convert_element_type3A_589 = arith.fptosi %mul3A_588 : vector<16xf32> to vector<16xi32>
        %min3A_590 = arith.constant 63 : i32
        %min3A_591 = vector.broadcast %min3A_590 : i32 to vector<16xi32>
        %min3A_592 = arith.minsi %convert_element_type3A_589, %min3A_591 : vector<16xi32>
        %mul3A_593 = arith.constant 64 : i32
        %mul3A_594 = vector.broadcast %mul3A_593 : i32 to vector<16xi32>
        %mul3A_595 = arith.muli %get3A_153, %mul3A_594 : vector<16xi32>
        %add3A_596 = arith.addi %mul3A_6, %mul3A_595 : vector<16xi32>
        %add3A_597 = arith.constant 2560 : i32
        %add3A_598 = vector.broadcast %add3A_597 : i32 to vector<16xi32>
        %add3A_599 = arith.addi %min3A_592, %add3A_598 : vector<16xi32>
        %add3A_600 = arith.addi %add3A_596, %add3A_599 : vector<16xi32>
        tpu.vector_store_idx %arg7[%add3A_600], %broadcast_in_dim3A_3 {add = true} : memref<81920xf32, #tpu.memory_space<vmem>>[vector<16xi32>], vector<16xf32>,
        %add3A_601 = arith.constant 1280 : i32
        %add3A_602 = vector.broadcast %add3A_601 : i32 to vector<16xi32>
        %add3A_603 = arith.addi %add3A_600, %add3A_602 : vector<16xi32>
        tpu.vector_store_idx %arg7[%add3A_603], %select_n3A_571 {add = true} : memref<81920xf32, #tpu.memory_space<vmem>>[vector<16xi32>], vector<16xf32>,
      }
      %scan3A_31 = arith.constant 128 : i32
    }
    %scan3A_17 = arith.constant 2 : i32
    "tpu.region"() ({
      %run_scoped3A = tpu.sem_alloc : memref<!tpu.dma_semaphore, #tpu.memory_space<semaphore_mem>>
      %dma_start3A = arith.constant 0 : i32
      %dma_start3A_18 = tpu.memref_slice %arg4[%add3A, %dma_start3A] : memref<32x81920xf32, #tpu.memory_space<hbm>> -> memref<1x81920xf32, #tpu.memory_space<hbm>>
      %dma_start3A_19 = tpu.memref_squeeze %dma_start3A_18 : memref<1x81920xf32, #tpu.memory_space<hbm>> -> memref<81920xf32, #tpu.memory_space<hbm>>
      %dma_start3A_20 = arith.constant 0 : i32
      %dma_start3A_21 = tpu.memref_slice %arg4[%add3A, %dma_start3A_20] : memref<32x81920xf32, #tpu.memory_space<hbm>> -> memref<1x81920xf32, #tpu.memory_space<hbm>>
      %dma_start3A_22 = tpu.memref_squeeze %dma_start3A_21 : memref<1x81920xf32, #tpu.memory_space<hbm>> -> memref<81920xf32, #tpu.memory_space<hbm>>
      tpu.enqueue_dma source(%arg7 : memref<81920xf32, #tpu.memory_space<vmem>>) target(%dma_start3A_22 : memref<81920xf32, #tpu.memory_space<hbm>>) target_semaphore(%run_scoped3A : memref<!tpu.dma_semaphore, #tpu.memory_space<semaphore_mem>>)
      %dma_wait3A = arith.constant 0 : i32
      %dma_wait3A_23 = tpu.memref_slice %arg4[%add3A, %dma_wait3A] : memref<32x81920xf32, #tpu.memory_space<hbm>> -> memref<1x81920xf32, #tpu.memory_space<hbm>>
      %dma_wait3A_24 = tpu.memref_squeeze %dma_wait3A_23 : memref<1x81920xf32, #tpu.memory_space<hbm>> -> memref<81920xf32, #tpu.memory_space<hbm>>
      %dma_wait3A_25 = arith.constant 0 : i32
      %dma_wait3A_26 = tpu.memref_slice %arg4[%add3A, %dma_wait3A_25] : memref<32x81920xf32, #tpu.memory_space<hbm>> -> memref<1x81920xf32, #tpu.memory_space<hbm>>
      %dma_wait3A_27 = tpu.memref_squeeze %dma_wait3A_26 : memref<1x81920xf32, #tpu.memory_space<hbm>> -> memref<81920xf32, #tpu.memory_space<hbm>>
      tpu.wait_dma2 semaphore(%run_scoped3A : memref<!tpu.dma_semaphore, #tpu.memory_space<semaphore_mem>>) src(%arg7 : memref<81920xf32, #tpu.memory_space<vmem>>) dst(%dma_wait3A_27 : memref<81920xf32, #tpu.memory_space<hbm>>)
      tpu.yield
    }) : () -> ()
    return
  }
}

module attributes {stable_mosaic.version = 14 : i64} {
  func.func @_finish_body(%arg0: memref<32x81920xf32, #tpu.memory_space<vmem>>, %arg1: memref<1x1xf32, #tpu.memory_space<vmem>>) attributes {dimension_semantics = [], scalar_prefetch = 0 : i64, scratch_operands = 0 : i64, tpu.core_type = #tpu.core_type<tc>} {
    %get3A = arith.constant 0 : index
    %get3A_0 = arith.constant 0 : index
    %get3A_1 = vector.load %arg0[%get3A, %get3A_0] : memref<32x81920xf32, #tpu.memory_space<vmem>>, vector<32x81920xf32>
    %reduce_sum3A = arith.constant dense<0.000000e+00> : vector<81920xf32>
    %reduce_sum3A_2 = vector.multi_reduction <add>, %get3A_1, %reduce_sum3A [0] : vector<32x81920xf32> to vector<81920xf32>
    %reshape3A = vector.shape_cast %reduce_sum3A_2 : vector<81920xf32> to vector<640x128xf32>
    %iota3A = tpu.iota {dimensions = array<i32: 1>} : vector<40x640xi32>
    %iota3A_3 = tpu.iota {dimensions = array<i32: 0>} : vector<40x640xi32>
    %jit3A = arith.constant 40 : i32
    %eq3A = arith.constant 0 : i32
    %eq3A_4 = arith.cmpi eq, %jit3A, %eq3A : i32
    %jit3A_5 = arith.constant 1 : i32
    %select_n3A = arith.select %eq3A_4, %jit3A_5, %jit3A : i32
    %rem3A = vector.broadcast %select_n3A : i32 to vector<40x640xi32>
    %rem3A_6 = arith.remsi %iota3A, %rem3A : vector<40x640xi32>
    %ne3A = arith.constant 0 : i32
    %ne3A_7 = vector.broadcast %ne3A : i32 to vector<40x640xi32>
    %ne3A_8 = arith.cmpi ne, %rem3A_6, %ne3A_7 : vector<40x640xi32>
    %lt3A = arith.constant 0 : i32
    %lt3A_9 = vector.broadcast %lt3A : i32 to vector<40x640xi32>
    %lt3A_10 = arith.cmpi slt, %rem3A_6, %lt3A_9 : vector<40x640xi32>
    %lt3A_11 = arith.constant 0 : i32
    %lt3A_12 = arith.cmpi slt, %select_n3A, %lt3A_11 : i32
    %ne3A_13 = vector.broadcast %lt3A_12 : i1 to vector<40x640xi1>
    %ne3A_14 = vector.broadcast %ne3A_13 : vector<40x640xi1> to vector<40x640xi1>
    %ne3A_15 = arith.xori %lt3A_10, %ne3A_14 : vector<40x640xi1>
    %and3A = arith.andi %ne3A_15, %ne3A_8 : vector<40x640xi1>
    %add3A = vector.broadcast %select_n3A : i32 to vector<40x640xi32>
    %add3A_16 = arith.addi %rem3A_6, %add3A : vector<40x640xi32>
    %select_n3A_17 = arith.select %and3A, %add3A_16, %rem3A_6 : vector<40x640xi1>, vector<40x640xi32>
    %eq3A_18 = arith.cmpi eq, %select_n3A_17, %iota3A_3 : vector<40x640xi32>
    %convert_element_type3A = arith.extui %eq3A_18 : vector<40x640xi1> to vector<40x640xi32>
    %convert_element_type3A_19 = arith.sitofp %convert_element_type3A : vector<40x640xi32> to vector<40x640xf32>
    %dot_general3A = arith.constant dense<0.000000e+00> : vector<40x128xf32>
    %dot_general3A_20 = tpu.matmul %convert_element_type3A_19, %reshape3A, %dot_general3A {dimension_numbers = #tpu.dot_dimension_numbers<[1], [0], [0], [1], [0, 0, 1, 1], [], []>, transpose_lhs_hint = false} : vector<40x640xf32>, vector<640x128xf32>, vector<40x128xf32> -> vector<40x128xf32>
    %iota3A_21 = tpu.iota {dimensions = array<i32: 0>} : vector<128x128xi32>
    %iota3A_22 = tpu.iota {dimensions = array<i32: 1>} : vector<128x128xi32>
    %jit3A_23 = arith.constant 64 : i32
    %div3A = vector.broadcast %jit3A_23 : i32 to vector<128x128xi32>
    %div3A_24 = arith.divsi %iota3A_21, %div3A : vector<128x128xi32>
    %sign3A = arith.constant 0 : i32
    %sign3A_25 = vector.broadcast %sign3A : i32 to vector<128x128xi32>
    %sign3A_26 = arith.cmpi sgt, %iota3A_21, %sign3A_25 : vector<128x128xi32>
    %sign3A_27 = arith.extui %sign3A_26 : vector<128x128xi1> to vector<128x128xi32>
    %sign3A_28 = arith.constant 0 : i32
    %sign3A_29 = vector.broadcast %sign3A_28 : i32 to vector<128x128xi32>
    %sign3A_30 = arith.cmpi slt, %iota3A_21, %sign3A_29 : vector<128x128xi32>
    %sign3A_31 = arith.extui %sign3A_30 : vector<128x128xi1> to vector<128x128xi32>
    %sign3A_32 = arith.subi %sign3A_27, %sign3A_31 : vector<128x128xi32>
    %sign3A_33 = arith.constant 0 : i32
    %sign3A_34 = arith.cmpi sgt, %jit3A_23, %sign3A_33 : i32
    %sign3A_35 = arith.extui %sign3A_34 : i1 to i32
    %sign3A_36 = arith.constant 0 : i32
    %sign3A_37 = arith.cmpi slt, %jit3A_23, %sign3A_36 : i32
    %sign3A_38 = arith.extui %sign3A_37 : i1 to i32
    %sign3A_39 = arith.subi %sign3A_35, %sign3A_38 : i32
    %ne3A_40 = vector.broadcast %sign3A_39 : i32 to vector<128x128xi32>
    %ne3A_41 = arith.cmpi ne, %sign3A_32, %ne3A_40 : vector<128x128xi32>
    %rem3A_42 = vector.broadcast %jit3A_23 : i32 to vector<128x128xi32>
    %rem3A_43 = arith.remsi %iota3A_21, %rem3A_42 : vector<128x128xi32>
    %ne3A_44 = arith.constant 0 : i32
    %ne3A_45 = vector.broadcast %ne3A_44 : i32 to vector<128x128xi32>
    %ne3A_46 = arith.cmpi ne, %rem3A_43, %ne3A_45 : vector<128x128xi32>
    %and3A_47 = arith.andi %ne3A_41, %ne3A_46 : vector<128x128xi1>
    %sub3A = arith.constant 1 : i32
    %sub3A_48 = vector.broadcast %sub3A : i32 to vector<128x128xi32>
    %sub3A_49 = arith.subi %div3A_24, %sub3A_48 : vector<128x128xi32>
    %select_n3A_50 = arith.select %and3A_47, %sub3A_49, %div3A_24 : vector<128x128xi1>, vector<128x128xi32>
    %jit3A_51 = arith.constant 64 : i32
    %div3A_52 = vector.broadcast %jit3A_51 : i32 to vector<128x128xi32>
    %div3A_53 = arith.divsi %iota3A_22, %div3A_52 : vector<128x128xi32>
    %sign3A_54 = arith.constant 0 : i32
    %sign3A_55 = vector.broadcast %sign3A_54 : i32 to vector<128x128xi32>
    %sign3A_56 = arith.cmpi sgt, %iota3A_22, %sign3A_55 : vector<128x128xi32>
    %sign3A_57 = arith.extui %sign3A_56 : vector<128x128xi1> to vector<128x128xi32>
    %sign3A_58 = arith.constant 0 : i32
    %sign3A_59 = vector.broadcast %sign3A_58 : i32 to vector<128x128xi32>
    %sign3A_60 = arith.cmpi slt, %iota3A_22, %sign3A_59 : vector<128x128xi32>
    %sign3A_61 = arith.extui %sign3A_60 : vector<128x128xi1> to vector<128x128xi32>
    %sign3A_62 = arith.subi %sign3A_57, %sign3A_61 : vector<128x128xi32>
    %sign3A_63 = arith.constant 0 : i32
    %sign3A_64 = arith.cmpi sgt, %jit3A_51, %sign3A_63 : i32
    %sign3A_65 = arith.extui %sign3A_64 : i1 to i32
    %sign3A_66 = arith.constant 0 : i32
    %sign3A_67 = arith.cmpi slt, %jit3A_51, %sign3A_66 : i32
    %sign3A_68 = arith.extui %sign3A_67 : i1 to i32
    %sign3A_69 = arith.subi %sign3A_65, %sign3A_68 : i32
    %ne3A_70 = vector.broadcast %sign3A_69 : i32 to vector<128x128xi32>
    %ne3A_71 = arith.cmpi ne, %sign3A_62, %ne3A_70 : vector<128x128xi32>
    %rem3A_72 = vector.broadcast %jit3A_51 : i32 to vector<128x128xi32>
    %rem3A_73 = arith.remsi %iota3A_22, %rem3A_72 : vector<128x128xi32>
    %ne3A_74 = arith.constant 0 : i32
    %ne3A_75 = vector.broadcast %ne3A_74 : i32 to vector<128x128xi32>
    %ne3A_76 = arith.cmpi ne, %rem3A_73, %ne3A_75 : vector<128x128xi32>
    %and3A_77 = arith.andi %ne3A_71, %ne3A_76 : vector<128x128xi1>
    %sub3A_78 = arith.constant 1 : i32
    %sub3A_79 = vector.broadcast %sub3A_78 : i32 to vector<128x128xi32>
    %sub3A_80 = arith.subi %div3A_53, %sub3A_79 : vector<128x128xi32>
    %select_n3A_81 = arith.select %and3A_77, %sub3A_80, %div3A_53 : vector<128x128xi1>, vector<128x128xi32>
    %eq3A_82 = arith.cmpi eq, %select_n3A_50, %select_n3A_81 : vector<128x128xi32>
    %gt3A = arith.cmpi sgt, %iota3A_21, %iota3A_22 : vector<128x128xi32>
    %and3A_83 = arith.andi %gt3A, %eq3A_82 : vector<128x128xi1>
    %convert_element_type3A_84 = arith.extui %and3A_83 : vector<128x128xi1> to vector<128x128xi32>
    %convert_element_type3A_85 = arith.sitofp %convert_element_type3A_84 : vector<128x128xi32> to vector<128x128xf32>
    %convert_element_type3A_86 = arith.extui %eq3A_82 : vector<128x128xi1> to vector<128x128xi32>
    %convert_element_type3A_87 = arith.sitofp %convert_element_type3A_86 : vector<128x128xi32> to vector<128x128xf32>
    %dot_general3A_88 = arith.constant dense<0.000000e+00> : vector<40x128xf32>
    %dot_general3A_89 = tpu.matmul %dot_general3A_20, %convert_element_type3A_85, %dot_general3A_88 {dimension_numbers = #tpu.dot_dimension_numbers<[1], [0], [0], [1], [0, 0, 1, 1], [], []>, transpose_lhs_hint = false} : vector<40x128xf32>, vector<128x128xf32>, vector<40x128xf32> -> vector<40x128xf32>
    %slice3A = vector.extract_strided_slice %dot_general3A_20 {offsets = [0, 0], sizes = [10, 128], strides = [1, 1]} : vector<40x128xf32> to vector<10x128xf32>
    %slice3A_90 = vector.extract_strided_slice %dot_general3A_20 {offsets = [10, 0], sizes = [10, 128], strides = [1, 1]} : vector<40x128xf32> to vector<10x128xf32>
    %slice3A_91 = vector.extract_strided_slice %dot_general3A_20 {offsets = [20, 0], sizes = [10, 128], strides = [1, 1]} : vector<40x128xf32> to vector<10x128xf32>
    %slice3A_92 = vector.extract_strided_slice %dot_general3A_20 {offsets = [30, 0], sizes = [10, 128], strides = [1, 1]} : vector<40x128xf32> to vector<10x128xf32>
    %slice3A_93 = vector.extract_strided_slice %dot_general3A_89 {offsets = [0, 0], sizes = [10, 128], strides = [1, 1]} : vector<40x128xf32> to vector<10x128xf32>
    %slice3A_94 = vector.extract_strided_slice %dot_general3A_89 {offsets = [20, 0], sizes = [10, 128], strides = [1, 1]} : vector<40x128xf32> to vector<10x128xf32>
    %dot_general3A_95 = arith.constant dense<0.000000e+00> : vector<10x128xf32>
    %dot_general3A_96 = tpu.matmul %slice3A_91, %convert_element_type3A_87, %dot_general3A_95 {dimension_numbers = #tpu.dot_dimension_numbers<[1], [0], [0], [1], [0, 0, 1, 1], [], []>, transpose_lhs_hint = false} : vector<10x128xf32>, vector<128x128xf32>, vector<10x128xf32> -> vector<10x128xf32>
    %sub3A_97 = arith.subf %slice3A_93, %slice3A_94 : vector<10x128xf32>
    %add3A_98 = arith.addf %dot_general3A_96, %sub3A_97 : vector<10x128xf32>
    %max3A = arith.constant 5.000000e-01 : f32
    %max3A_99 = vector.broadcast %max3A : f32 to vector<10x128xf32>
    %max3A_100 = arith.maximumf %add3A_98, %max3A_99 : vector<10x128xf32>
    %iota3A_101 = tpu.iota {dimensions = array<i32: 1>} : vector<10x128xi32>
    %jit3A_102 = arith.constant 64 : i32
    %eq3A_103 = arith.constant 0 : i32
    %eq3A_104 = arith.cmpi eq, %jit3A_102, %eq3A_103 : i32
    %jit3A_105 = arith.constant 1 : i32
    %select_n3A_106 = arith.select %eq3A_104, %jit3A_105, %jit3A_102 : i32
    %rem3A_107 = vector.broadcast %select_n3A_106 : i32 to vector<10x128xi32>
    %rem3A_108 = arith.remsi %iota3A_101, %rem3A_107 : vector<10x128xi32>
    %ne3A_109 = arith.constant 0 : i32
    %ne3A_110 = vector.broadcast %ne3A_109 : i32 to vector<10x128xi32>
    %ne3A_111 = arith.cmpi ne, %rem3A_108, %ne3A_110 : vector<10x128xi32>
    %lt3A_112 = arith.constant 0 : i32
    %lt3A_113 = vector.broadcast %lt3A_112 : i32 to vector<10x128xi32>
    %lt3A_114 = arith.cmpi slt, %rem3A_108, %lt3A_113 : vector<10x128xi32>
    %lt3A_115 = arith.constant 0 : i32
    %lt3A_116 = arith.cmpi slt, %select_n3A_106, %lt3A_115 : i32
    %ne3A_117 = vector.broadcast %lt3A_116 : i1 to vector<10x128xi1>
    %ne3A_118 = vector.broadcast %ne3A_117 : vector<10x128xi1> to vector<10x128xi1>
    %ne3A_119 = arith.xori %lt3A_114, %ne3A_118 : vector<10x128xi1>
    %and3A_120 = arith.andi %ne3A_119, %ne3A_111 : vector<10x128xi1>
    %add3A_121 = vector.broadcast %select_n3A_106 : i32 to vector<10x128xi32>
    %add3A_122 = arith.addi %rem3A_108, %add3A_121 : vector<10x128xi32>
    %select_n3A_123 = arith.select %and3A_120, %add3A_122, %rem3A_108 : vector<10x128xi1>, vector<10x128xi32>
    %convert_element_type3A_124 = arith.sitofp %select_n3A_123 : vector<10x128xi32> to vector<10x128xf32>
    %mul3A = arith.constant 1.562500e-02 : f32
    %mul3A_125 = vector.broadcast %mul3A : f32 to vector<10x128xf32>
    %mul3A_126 = arith.mulf %convert_element_type3A_124, %mul3A_125 : vector<10x128xf32>
    %div3A_127 = arith.divf %slice3A_93, %max3A_100 : vector<10x128xf32>
    %mul3A_128 = arith.constant 1.562500e-02 : f32
    %mul3A_129 = vector.broadcast %mul3A_128 : f32 to vector<10x128xf32>
    %mul3A_130 = arith.mulf %div3A_127, %mul3A_129 : vector<10x128xf32>
    %sub3A_131 = arith.subf %slice3A, %slice3A_91 : vector<10x128xf32>
    %sub3A_132 = arith.subf %slice3A_90, %slice3A_92 : vector<10x128xf32>
    %mul3A_133 = arith.mulf %slice3A_91, %mul3A_126 : vector<10x128xf32>
    %sub3A_134 = arith.subf %slice3A_92, %mul3A_133 : vector<10x128xf32>
    %div3A_135 = arith.divf %sub3A_134, %max3A_100 : vector<10x128xf32>
    %mul3A_136 = arith.mulf %sub3A_131, %mul3A_126 : vector<10x128xf32>
    %sub3A_137 = arith.subf %sub3A_132, %mul3A_136 : vector<10x128xf32>
    %sub3A_138 = arith.subf %dot_general3A_96, %slice3A_94 : vector<10x128xf32>
    %mul3A_139 = arith.mulf %sub3A_137, %sub3A_138 : vector<10x128xf32>
    %mul3A_140 = arith.mulf %max3A_100, %max3A_100 : vector<10x128xf32>
    %div3A_141 = arith.divf %mul3A_139, %mul3A_140 : vector<10x128xf32>
    %add3A_142 = arith.addf %div3A_135, %div3A_141 : vector<10x128xf32>
    %gt3A_143 = arith.constant 0.000000e+00 : f32
    %gt3A_144 = vector.broadcast %gt3A_143 : f32 to vector<10x128xf32>
    %gt3A_145 = arith.cmpf ogt, %dot_general3A_96, %gt3A_144 : vector<10x128xf32>
    %convert_element_type3A_146 = arith.extui %gt3A_145 : vector<10x128xi1> to vector<10x128xi32>
    %convert_element_type3A_147 = arith.sitofp %convert_element_type3A_146 : vector<10x128xi32> to vector<10x128xf32>
    %add3A_148 = arith.addf %mul3A_130, %add3A_142 : vector<10x128xf32>
    %mul3A_149 = arith.mulf %add3A_148, %convert_element_type3A_147 : vector<10x128xf32>
    %reduce_sum3A_150 = vector.shape_cast %mul3A_149 : vector<10x128xf32> to vector<1x10x128xf32>
    %reduce_sum3A_151 = arith.constant dense<0.000000e+00> : vector<1xf32>
    %reduce_sum3A_152 = vector.multi_reduction <add>, %reduce_sum3A_150, %reduce_sum3A_151 [1, 2] : vector<1x10x128xf32> to vector<1xf32>
    %reduce_sum3A_153 = vector.shape_cast %reduce_sum3A_152 : vector<1xf32> to vector<1x1x1xf32>
    %reduce_sum3A_154 = vector.extract %reduce_sum3A_153[0, 0, 0] : f32 from vector<1x1x1xf32>
    %reduce_sum3A_155 = vector.shape_cast %convert_element_type3A_147 : vector<10x128xf32> to vector<1x10x128xf32>
    %reduce_sum3A_156 = arith.constant dense<0.000000e+00> : vector<1xf32>
    %reduce_sum3A_157 = vector.multi_reduction <add>, %reduce_sum3A_155, %reduce_sum3A_156 [1, 2] : vector<1x10x128xf32> to vector<1xf32>
    %reduce_sum3A_158 = vector.shape_cast %reduce_sum3A_157 : vector<1xf32> to vector<1x1x1xf32>
    %reduce_sum3A_159 = vector.extract %reduce_sum3A_158[0, 0, 0] : f32 from vector<1x1x1xf32>
    %mul3A_160 = arith.constant 1.562500e-02 : f32
    %mul3A_161 = arith.mulf %reduce_sum3A_159, %mul3A_160 : f32
    %max3A_162 = arith.constant 1.000000e+00 : f32
    %max3A_163 = arith.maximumf %mul3A_161, %max3A_162 : f32
    %div3A_164 = arith.divf %reduce_sum3A_154, %max3A_163 : f32
    %reshape3A_165 = vector.broadcast %div3A_164 : f32 to vector<1x1xf32>
    %swap3A = arith.constant 0 : index
    %swap3A_166 = arith.constant 0 : index
    %swap3A_167 = vector.load %arg1[%swap3A, %swap3A_166] : memref<1x1xf32, #tpu.memory_space<vmem>>, vector<1x1xf32>
    tpu.vector_store %arg1[%swap3A, %swap3A_166], %reshape3A_165 {strides = array<i32>} : memref<1x1xf32, #tpu.memory_space<vmem>>, vector<1x1xf32>,
    return
  }
}

</mosaic_0001>

<sc_bundles>
// kernel: kernel.4.cloned.1.call-start
scs
__scs_entry_jumppad:
0x0: {  	(pc) =	sbr.rel $0x88, $3  }
0x1: {  	(tag) =	ssettag $0x0;
	lr =	simm.s32 $0x1  }
0x2: {  	[smem:$0x3F9F] =	sst lr;
	_ =	strace $0xD0000000  }
0x3: {  	_ = 	snop  }
0x4: {  	_ = 	snop  }
0x5: {  	_ = 	snop  }
0x6: {  	_ = 	snop  }
0x7: {  	_ = 	snop  }
__scs_overlays_trampoline_lowered:
0x8: {  	[smem:$0x3FAE] =	sst s0  }
0x9: {  	[smem:$0x3FAF] =	sst s1  }
0xa: {  	[smem:$0x3FB0] =	sst s2  }
0xb: {  	[smem:$0x3FB1] =	sst s3  }
0xc: {  	[smem:$0x3FB2] =	sst s4  }
0xd: {  	[smem:$0x3FB3] =	sst s5  }
0xe: {  	[smem:$0x3FB4] =	sst s6  }
0xf: {  	[smem:$0x3FB5] =	sst s7  }
0x10: {  	[smem:$0x3FB6] =	sst s8  }
0x11: {  	[smem:$0x3FB7] =	sst s9;
	s0 =	simm.s32 @!p0 $0x0  }
0x12: {  	s1 =	sld [smem:$0x3F9D];
	s0 =	simm.s32 @p0 $0x1  }
0x13: {  	[smem:$0x3FB8] =	sst s0;
	s0 =	simm.s32 @!p1 $0x0  }
0x14: {  	s2 =	sld [smem:$0x3F9C];
	s0 =	simm.s32 @p1 $0x1  }
0x15: {  	[smem:$0x3FB9] =	sst s0;
	s0 =	simm.s32 @!p2 $0x0  }
0x16: {  	s3 =	sld [smem:$0x3FDB];
	s0 =	simm.s32 @p2 $0x1  }
0x17: {  	s4 =	simm.s32 $0x1BF5;
	[smem:$0x3FBB] =	sst s0  }
0x18: {  	s0 =	sld [smem:$0x3F9E];
	_ =	swait.ge [sflag:s4], $0x0  }
0x19: {  	s7 =	sld [smem:$0x3F9F]  }
0x1a: {  	s8 =	sadd.s32 $0xFFFFE003, lr  }
0x1b: {  	s9 =	sadd.s32 $0xFFFFFEF7, lr;
	s5 =	simm.s32 $0xFFFFFFFF;
	p2 =	slt.u32 s8, $0xFFFFF086  }
0x1c: {  	p1 =	slt.u32 s9, $0xF7A;
	s5 =	simm.s32 @!p2 $0x0  }
0x1d: {  	s5 =	simm.s32 @p1 $0x1;
	p0 =	seq.s32 s7, s2  }
0x1e: {  	s7 =	smul.u32 @!p0 $0xF7A, s2;
	p2 =	seq.s32 @!p0 s5, $0x0  }
0x1f: {  	s9 =	smul.u32 $0xF7A, s1;
	s8 =	simm.s32 @!p0 $0x1BF5;
	p2 =	por !p2, p0  }
0x20: {  	[sflag:s8] =	ssyncset.s32 @!p0 $0xFFFFF086;
	s6 =	sadd.s32 @!p0 s3, s7;
	s7 =	simm.s32 @!p0 $0x108  }
0x21: {  	s3 =	sadd.s32 s3, s9;
	s6 =	sadd.s32 @!p0 $0x88, s6;
	s7 =	simm.s32 @p2 $0x1082  }
0x22: {  	[simem:s7], [sflag:s8] =	dma.local @!p0 [hbm:s6], $0xF7A  }
0x23: {  	s9 =	sor.u32 $0xD0000000, s2;
	s6 =	simm.s32 $0x108;
	_ =	swait.ge @!p0 [sflag:s8], $0x0  }
0x24: {  	s3 =	sadd.s32 $0x88, s3;
	s6 =	simm.s32 @!p1 $0x1082;
	[sflag:s4] =	ssyncset.s32 $0xFFFFF086  }
0x25: {  	[simem:s6], [sflag:s4] =	dma.local [hbm:s3], $0xF7A  }
0x26: {  	[smem:$0x3F9F] =	sst s1;
	(tag) =	ssettag s2;
	_ =	strace s9  }
0x27: {  	s1 =	sld [smem:$0x3FAF]  }
0x28: {  	s2 =	sld [smem:$0x3FB0]  }
0x29: {  	s4 =	sld [smem:$0x3FB2]  }
0x2a: {  	p0 =	seq.s32 s5, $0x0;
	s5 =	sld [smem:$0x3FB3]  }
0x2b: {  	s6 =	sld [smem:$0x3FB4]  }
0x2c: {  	s7 =	sld [smem:$0x3FB5]  }
0x2d: {  	s3 =	simm.s32 $0x108;
	s8 =	sld [smem:$0x3FB6]  }
0x2e: {  	s3 =	simm.s32 @!p0 $0x1082;
	s9 =	sld [smem:$0x3FB7]  }
0x2f: {  	lr =	sadd.s32 s0, s3;
	s0 =	sld [smem:$0x3FAE]  }
0x30: {  	s3 =	sld [smem:$0x3FB1]  }
0x31: {  	[smem:$0x3FBA] =	sst s10  }
0x32: {  	s10 =	sld [smem:$0x3FB8];
	_ =	sdelay $0x3  }
0x33: {  	p0 =	seq.s32 s10, $0x1;
	s10 =	sld [smem:$0x3FBA];
	_ =	sdelay $0x3  }
0x34: {  	[smem:$0x3FBA] =	sst s10  }
0x35: {  	s10 =	sld [smem:$0x3FB9];
	_ =	sdelay $0x3  }
0x36: {  	p1 =	seq.s32 s10, $0x1;
	s10 =	sld [smem:$0x3FBA];
	_ =	sdelay $0x3  }
0x37: {  	[smem:$0x3FBA] =	sst s10  }
0x38: {  	s10 =	sld [smem:$0x3FBB]  }
0x39: {  	_ = 	snop;
	(pc) =	sbr.ind lr, $3  }
0x3a: {  	_ = 	snop  }
0x3b: {  	_ = 	snop  }
0x3c: {  	p2 =	seq.s32 s10, $0x1;
	s10 =	sld [smem:$0x3FBA]  }
0x3d: {  	_ =	shalt  }
0x3e: {  	_ =	shalt  }
0x3f: {  	_ =	shalt  }
0x40: {  	_ =	shalt  }
0x41: {  	_ =	shalt  }
0x42: {  	_ =	shalt  }
0x43: {  	_ =	shalt  }
0x44: {  	_ =	shalt  }
0x45: {  	_ =	shalt  }
0x46: {  	_ =	shalt  }
0x47: {  	_ =	shalt  }
0x48: {  	_ =	shalt  }
0x49: {  	_ =	shalt  }
0x4a: {  	_ =	shalt  }
0x4b: {  	_ =	shalt  }
0x4c: {  	_ =	shalt  }
0x4d: {  	_ =	shalt  }
0x4e: {  	_ =	shalt  }
0x4f: {  	_ =	shalt  }
0x50: {  	_ =	shalt  }
0x51: {  	_ =	shalt  }
0x52: {  	_ =	shalt  }
0x53: {  	_ =	shalt  }
0x54: {  	_ =	shalt  }
0x55: {  	_ =	shalt  }
0x56: {  	_ =	shalt  }
0x57: {  	_ =	shalt  }
0x58: {  	_ =	shalt  }
0x59: {  	_ =	shalt  }
0x5a: {  	_ =	shalt  }
0x5b: {  	_ =	shalt  }
0x5c: {  	_ =	shalt  }
0x5d: {  	_ =	shalt  }
0x5e: {  	_ =	shalt  }
0x5f: {  	_ =	shalt  }
0x60: {  	_ =	shalt  }
0x61: {  	_ =	shalt  }
0x62: {  	_ =	shalt  }
0x63: {  	_ =	shalt  }
0x64: {  	_ =	shalt  }
0x65: {  	_ =	shalt  }
0x66: {  	_ =	shalt  }
0x67: {  	_ =	shalt  }
0x68: {  	_ =	shalt  }
0x69: {  	_ =	shalt  }
0x6a: {  	_ =	shalt  }
0x6b: {  	_ =	shalt  }
0x6c: {  	_ =	shalt  }
0x6d: {  	_ =	shalt  }
0x6e: {  	_ =	shalt  }
0x6f: {  	_ =	shalt  }
0x70: {  	_ =	shalt  }
0x71: {  	_ =	shalt  }
0x72: {  	_ =	shalt  }
0x73: {  	_ =	shalt  }
0x74: {  	_ =	shalt  }
0x75: {  	_ =	shalt  }
0x76: {  	_ =	shalt  }
0x77: {  	_ =	shalt  }
0x78: {  	_ =	shalt  }
0x79: {  	_ =	shalt  }
0x7a: {  	_ =	shalt  }
0x7b: {  	_ =	shalt  }
0x7c: {  	_ =	shalt  }
0x7d: {  	_ =	shalt  }
0x7e: {  	_ =	shalt  }
0x7f: {  	_ =	shalt  }
0x80: {  	_ =	shalt  }
0x81: {  	_ =	shalt  }
0x82: {  	_ =	shalt  }
0x83: {  	_ =	shalt  }
0x84: {  	_ =	shalt  }
0x85: {  	_ =	shalt  }
0x86: {  	_ =	shalt  }
0x87: {  	_ =	shalt  }
.Lfunc_end0:
.L_simem_size_0:
called_computation_lowered:
.L_overlay_start_0:
0x88: {  	s2 =	sld [smem:$0x3FD9]  }
0x89: {  	s3 =	sld [smem:$0x3FFE];
	_ =	sdelay $0x1  }
0x8a: {  	s1 =	srdreg.scid  }
0x8b: {  	s0 =	sand.u32 $0x1, s1  }
0x8c: {  	s17 =	sshll.u32 s0, $0xA;
	s2 =	sadd.s32 s3, s2  }
0x8d: {  	s2 =	sadd.s32 s2, s17  }
0x8e: {  	[smem:$0x3FC6] =	sst s2  }
0x8f: {  	_ = 	snop  }
0x90: {  	s2 =	sld [smem:$0x3FC8];
	(tm) =	ssettm $0x1  }
0x91: {  	s18 =	sld [smem:$0x3FFB];
	_ =	sdelay $0x3  }
0x92: {  	_ =	strace s18  }
0x93: {  	s3 =	sld [smem:$0x3FFC];
	_ =	sdelay $0x3  }
0x94: {  	_ =	strace s3  }
0x95: {  	s3 =	sld [smem:$0x3FFD];
	_ =	sdelay $0x3  }
0x96: {  	_ =	strace s3  }
0x97: {  	_ =	strace $0x8FFFFFFF  }
0x98: {  	s19 =	sld [smem:$0x3FDB];
	_ =	sdelay $0x1  }
0x99: {  	s4 =	simm.s32 $_scs_section_size  }
0x9a: {  	s5 =	simm.s32 $_size__tile_overlayer_lowered;
	s6 =	simm.s32 $_tile_overlayer_lowered  }
0x9b: {  	s22 =	simm.s32 $0x1BFF;
	s21 =	sshll.u32 s6, $0x1;
	s3 =	sadd.s32 s4, s19  }
0x9c: {  	s7 =	simm.s32 $0x0;
	s20 =	sshll.u32 s5, $0x1;
	s5 =	sadd.s32 s21, s3  }
0x9d: {  	[timem:s7], [sflag:s22] =	dma.local [hbm:s5], s20  }
0x9e: {  	_ =	swait.ge [sflag:s22], s20  }
0x9f: {  	s4 =	ssub.s32 $0x0, s20;
	[sflag:s22] =	ssyncset.done $0x0  }
0xa0: {  	[sflag:s22] =	ssyncadd.s32 s4;
	_ =	sdelay $0x1  }
0xa1: {  	s23 =	simm.s32 $0x1B8B  }
0xa2: {  	_ =	swait.ge [sflag:s23], $0x1  }
0xa3: {  	[sflag:s23] =	ssyncset.done $0x0  }
0xa4: {  	s25 =	simm.s32 $0x1B8E;
	s24 =	sld [smem:$0x3FFE];
	[sflag:s23] =	ssyncadd.s32 $0xFFFFFFFF  }
0xa5: {  	s26 =	simm.s32 $execute0_lowered;
	[smem:$0x3FD2] =	sst s25  }
0xa6: {  	s5 =	sshll.u32 s26, $0x1;
	_ =	strace $0x80000046;
	[dreg:$0x1] =	wrdreg $0xFFFFFFFF  }
0xa7: {  	s28 =	simm.s32 $_size_execute0_lowered;
	s3 =	sadd.s32 s3, s5;
	[dreg:$0x0] =	wrdreg $0x0  }
0xa8: {  	s5 =	sshll.u32 s28, $0x1;
	[dreg:$0x2] =	wrdreg s3  }
0xa9: {  	[dreg:$0x3] =	wrdreg s5  }
0xaa: {  	[dreg:$0x4] =	wrdreg $0xC0  }
0xab: {  	_ =	task [dreg:s7], $0x5FFFF  }
0xac: {  	[dreg:$0x1] =	wrdreg $0xFFFFFFFF  }
0xad: {  	[dreg:$0x0] =	wrdreg $0x60  }
0xae: {  	[dreg:$0x2] =	wrdreg s24  }
0xaf: {  	[dreg:$0x3] =	wrdreg s2  }
0xb0: {  	[dreg:$0x4] =	wrdreg $0x9  }
0xb1: {  	_ =	task.clear_ibuf [dreg:s7], $0x5FFFF;
	_ =	strace $0x90000046  }
0xb2: {  	s29 =	simm.s32 $0x9;
	_ =	strace $0x80000048  }
0xb3: {  	_ =	swait.ge [sflag:s29], $0x1  }
0xb4: {  	[sflag:s29] =	ssyncadd.s32 $0xFFFFFFFF  }
0xb5: {  	_ =	strace $0x90000048  }
0xb6: {  	_ =	sfence  }
0xb7: {  	s30 =	sld [smem:$0x0];
	_ =	sdelay $0x2  }
0xb8: {  	s31 =	sshll.u32 s1, $0xD;
	s1 =	sshrl.u32 s1, $0x2  }
0xb9: {  	s3 =	sand.u32 $0x4000, s31;
	s1 =	sadd.s32 s1, s30  }
0xba: {  	s0 =	sor.u32 s3, s0;
	s1 =	sshll.u32 s1, $0x11  }
0xbb: {  	s0 =	sor.u32 s1, s0  }
0xbc: {  	s0 =	sadd.s32 $0x8F2B, s0  }
0xbd: {  	[sflag:s0] =	ssyncadd.remote.s32 $0x1  }
0xbe: {  	_ =	sfence.sel $0xFFFF  }
0xbf: {  	[dreg:$0x0] =	wrdreg $0xFFFFFFFF;
	(pc) =	sbr.abs _section_cstart, $3  }
0xc0: {  	[dreg:$0x1] =	wrdreg $0xFFFFFFFF  }
0xc1: {  	_ =	task.clear_ibuf [dreg:s7], $0x2FFFF;
	_ =	strace $0x9FFFFFFF  }
0xc2: {  	(tm) =	ssettm $0x7FFFFFFF  }
0xc3: {  	_ =	shalt  }
tec
execute0_lowered:
.L_overlay_start_1:
0x0: {  	(tag) =	ssettag $0x1  }
0x1: {  	v0 =	vlaneseq.u32  }
0x2: {  	v31 =	vmul.u32 $0x1400, v0;
	_ =	sdelay $0x1  }
0x3: {  	v2 =	vmul.u32 $0x13, v0;
	v0 =	vadd.s32 $0x5C0, v31  }
0x4: {  	[tilespmem:$0x1FDF0] =	vst v0;
	v0 =	vor.u32 $0x100, v31  }
0x5: {  	s5 =	rddreg [dreg:$0x0];
	[tilespmem:$0x1FE00] =	vst v0;
	v0 =	vadd.s32 $0x640, v31  }
0x6: {  	s2 =	rddreg [dreg:$0x1];
	s3 =	simm.s32 $0x0;
	[tilespmem:$0x1FE10] =	vst v0;
	v0 =	vor.u32 $0x1C0, v31  }
0x7: {  	s1 =	srdreg.scid;
	[smem:$0x7FF] =	sst s3;
	[tilespmem:$0x1FE20] =	vst v0  }
0x8: {  	s4 =	sand.u32 $0x1, s1;
	s1 =	rddreg [dreg:$0x2];
	v3 =	vadd.s32 $0x1, v2;
	_ =	strace $0x80000047;
	[tilespmem:$0x1FE30] =	vst v2  }
0x9: {  	v4 =	vadd.s32 $0x2, v2;
	[tilespmem:$0x1FE40] =	vst v3  }
0xa: {  	v5 =	vadd.s32 $0x3, v2;
	[tilespmem:$0x1FE50] =	vst v4  }
0xb: {  	v6 =	vadd.s32 $0x4, v2;
	[tilespmem:$0x1FE60] =	vst v5  }
0xc: {  	v7 =	vadd.s32 $0x5, v2;
	[tilespmem:$0x1FE70] =	vst v6  }
0xd: {  	v8 =	vadd.s32 $0x6, v2;
	[tilespmem:$0x1FE80] =	vst v7  }
0xe: {  	v9 =	vadd.s32 $0x7, v2;
	[tilespmem:$0x1FE90] =	vst v8  }
0xf: {  	v11 =	vadd.s32 $0x8, v2;
	[tilespmem:$0x1FEA0] =	vst v9  }
0x10: {  	v13 =	vadd.s32 $0x9, v2;
	[tilespmem:$0x1FEB0] =	vst v11  }
0x11: {  	v14 =	vadd.s32 $0xA, v2;
	[tilespmem:$0x1FEC0] =	vst v13  }
0x12: {  	v15 =	vadd.s32 $0xB, v2;
	[tilespmem:$0x1FED0] =	vst v14  }
0x13: {  	v16 =	vadd.s32 $0xC, v2;
	[tilespmem:$0x1FEE0] =	vst v15  }
0x14: {  	v17 =	vadd.s32 $0xD, v2;
	[tilespmem:$0x1FEF0] =	vst v16  }
0x15: {  	v18 =	vadd.s32 $0xE, v2;
	[tilespmem:$0x1FF00] =	vst v17  }
0x16: {  	v19 =	vadd.s32 $0xF, v2;
	[tilespmem:$0x1FF10] =	vst v18  }
0x17: {  	v20 =	vadd.s32 $0x10, v2;
	[tilespmem:$0x1FF20] =	vst v19  }
0x18: {  	v1 =	vimm.f32 $0.0e+00;
	v21 =	vimm.f32 $1.000000000e+00;
	v22 =	vadd.s32 $0x11, v2;
	[tilespmem:$0x1FF30] =	vst v20  }
0x19: {  	v23 =	vadd.s32 $0x12, v2;
	v32 =	vadd.s32 $0x500, v31;
	v60 =	vor.u32 $0x40, v31;
	[tilespmem:$0x1FF40] =	vst v22  }
0x1a: {  	v34 =	vadd.s32 $0x540, v31;
	v35 =	vor.u32 $0x80, v31;
	v26 =	vor.u32 $0x300, v31;
	[tilespmem:$0x1FF50] =	vst v23  }
0x1b: {  	v37 =	vadd.s32 $0x580, v31;
	v56 =	vor.u32 $0xC0, v31;
	v25 =	vadd.s32 $0x800, v31;
	[tilespmem:$0x1FF60] =	vst v26  }
0x1c: {  	s0 =	stileid.u32;
	v41 =	vadd.s32 $0x600, v31;
	v40 =	vor.u32 $0x140, v31;
	v27 =	vor.u32 $0x340, v31;
	[tilespmem:$0x1FF70] =	vst v25  }
0x1d: {  	s28 =	sshll.u32 s0, $0x1;
	v42 =	vor.u32 $0x180, v31;
	v44 =	vadd.s32 $0x680, v31;
	v28 =	vadd.s32 $0x840, v31;
	[tilespmem:$0x1FF80] =	vst v27  }
0x1e: {  	s29 =	sshrl.u32 s0, $0x2;
	s6 =	sor.u32 s4, s28;
	v62 =	vadd.s32 $0x6C0, v31;
	v47 =	vor.u32 $0x200, v31;
	v29 =	vor.u32 $0x380, v31;
	[tilespmem:$0x1FF90] =	vst v28  }
0x1f: {  	s9 =	simm.s32 $0xA000;
	s7 =	smul.u32 $0xA0000, s29;
	s8 =	sshll.u32 s6, $0x7;
	v48 =	vadd.s32 $0x700, v31;
	v45 =	vor.u32 $0x240, v31;
	v24 =	vor.u32 $0x3C0, v31;
	[tilespmem:$0x1FFA0] =	vst v29  }
0x20: {  	s10 =	simm.s32 $0x80;
	s11 =	simm.s32 $0x400;
	v49 =	vadd.s32 $0x740, v31;
	v50 =	vor.u32 $0x280, v31;
	v30 =	vadd.s32 $0x880, v31;
	s8 =	sand.u32 $0x380, s8;
	[tilespmem:$0x1FFB0] =	vst v24  }
0x21: {  	s12 =	simm.s32 $0x0;
	s30 =	ssub.s32 $0x2, s4;
	v51 =	vadd.s32 $0x780, v31;
	v52 =	vor.u32 $0x2C0, v31;
	v53 =	vadd.s32 $0x7C0, v31;
	s7 =	sor.u32 s7, s8;
	[tilespmem:$0x1FFC0] =	vst v30  }
0x22: {  	s4 =	sadd.s32 $0x200600, s5;
	s31 =	sshrl.u32 s30, $0x1;
	v43 =	vadd.s32 $0x8C0, v31;
	v46 =	vadd.s32 $0x400, v31;
	v54 =	vadd.s32 $0x900, v31;
	s7 =	sshrl.u32 s7, $0x3;
	[tilespmem:$0x1FFD0] =	vst v31  }
0x23: {  	v55 =	vadd.s32 $0x440, v31;
	v57 =	vadd.s32 $0x940, v31;
	v12 =	vadd.s32 $0xA00, v31;
	s8 =	ssub.s32 s30, s31;
	s7 =	sadd.s32 s7, s5;
	s5 =	sshll.u32 s6, $0xC;
	[tilespmem:$0x1FFE0] =	vst v37  }
0x24: {  	v58 =	vadd.s32 $0x480, v31;
	v36 =	vadd.s32 $0x980, v31;
	v59 =	vadd.s32 $0xF00, v31;
	s6 =	sadd.s32 $0x600, s7;
	s7 =	smax.u32 s8, $0x1;
	s8 =	simm.s32 $0x1;
	[tilespmem:$0x1FFF0] =	vst v12  }
.LBB2_1:
0x25: {  	s13 =	simm.s32 $0xA040  }
0x26: {  	[tilespmem:s13+$0xFFFFFFC0] =	vst v1  }
0x27: {  	[tilespmem:s13+$0x30] =	vst v1  }
0x28: {  	[tilespmem:s13+$0x20] =	vst v1  }
0x29: {  	[tilespmem:s13+$0x10] =	vst v1  }
0x2a: {  	[tilespmem:s13+$0x0] =	vst v1  }
0x2b: {  	[tilespmem:s13+$0xFFFFFFF0] =	vst v1  }
0x2c: {  	s14 =	simm.s32 $0x0;
	p1 =	por $0x1, $0x1;
	[tilespmem:s13+$0xFFFFFFE0] =	vst v1  }
.LBB2_2:
0x2d: {  	s14 =	sadd.s32 $0x8, s14;
	[tilespmem:s13+$0xFFFFFFD0] =	vst v1;
	s13 =	sadd.s32 $0x80, s13  }
0x2e: {  	[tilespmem:s13+$0xFFFFFFC0] =	vst v1;
	p0 =	slt.u32 s14, $0x13F8  }
0x2f: {  	[tilespmem:s13+$0x30] =	vst v1  }
.Ltmp0:
0x30: {  	[tilespmem:s13+$0x20] =	vst v1;
	(pc) =	sbr.rel @p0 .LBB2_2-.Ltmp0, $4  }
0x31: {  	[tilespmem:s13+$0x10] =	vst v1  }
0x32: {  	[tilespmem:s13+$0x0] =	vst v1  }
0x33: {  	[tilespmem:s13+$0xFFFFFFF0] =	vst v1  }
0x34: {  	[tilespmem:s13+$0xFFFFFFE0] =	vst v1  }
0x35: {  	[tilespmem:s13+$0xFFFFFFD0] =	vst v1;
	s13 =	simm.s32 $0x0;
	s14 =	simm.s32 $0x0  }
.LBB2_4:
0x36: {  	s14 =	sor.u32 s5, s14  }
0x37: {  	s15 =	smul.u32 $0x13, s14;
	_ =	sdelay $0x1  }
0x38: {  	s15 =	sshrl.u32 s15, $0x3  }
0x39: {  	s15 =	sadd.s32 s4, s15  }
0x3a: {  	[tilespmem:s13], [sflag:$0x1] =	stream.linear.gather [hbm4b:s15+s13], $0x9800, $0x38;
	[tilespmem:$0x1E000] =	vst v63  }
0x3b: {  	_ =	swait.ge [sflag:s8], $0x9800  }
0x3c: {  	s14 =	sshrl.u32 s14, $0x3;
	[sflag:s8] =	ssyncset.done $0x0  }
0x3d: {  	s31 =	sadd.s32 s2, s14;
	s14 =	simm.s32 $0x9800;
	[sflag:s8] =	ssyncadd.s32 $0xFFFF6800  }
0x3e: {  	[tilespmem:s14], [sflag:$0x1] =	stream.linear.gather [hbm4b:s31+s13], $0x800, $0x38;
	[tilespmem:$0x1E000] =	vst v63  }
0x3f: {  	_ =	swait.ge [sflag:s8], $0x800  }
0x40: {  	[sflag:s8] =	ssyncset.done $0x0  }
0x41: {  	p0 =	por p1, p1;
	s15 =	simm.s32 $0x0;
	[sflag:s8] =	ssyncadd.s32 $0xFFFFF800  }
.LBB2_5:
0x42: {  	v0 =	vmov s15;
	v1 =	vld [tilespmem:$0x1FE30]  }
0x43: {  	v5 =	vld [tilespmem:$0x1FE40];
	v0 =	vmul.u32 $0x13, v0;
	_ =	sdelay $0x1  }
0x44: {  	v6 =	vld [tilespmem:$0x1FE50];
	v0 =	vbroadcast v0, $0x0;
	_ =	sdelay $0x1  }
0x45: {  	v7 =	vld [tilespmem:$0x1FE60];
	v2 =	vadd.s32 v1, v0  }
0x46: {  	v3 =	vadd.s32 v5, v0  }
0x47: {  	v24 =	vld [tilespmem:$0x1FE70]  }
0x48: {  	v25 =	vld [tilespmem:$0x1FE80];
	v4 =	vadd.s32 v6, v0  }
0x49: {  	v26 =	vld [tilespmem:$0x1FE90]  }
0x4a: {  	v5 =	vadd.s32 v7, v0;
	v2 =	vld.idx.msk [tilespmem:v2+s3+$0x0], $0xffff  }
0x4b: {  	v3 =	vld.idx.msk [tilespmem:v3+s3+$0x0], $0xffff  }
0x4c: {  	v6 =	vadd.s32 v24, v0  }
0x4d: {  	v7 =	vadd.s32 v25, v0;
	v4 =	vld.idx.msk [tilespmem:v4+s3+$0x0], $0xffff  }
0x4e: {  	v8 =	vadd.s32 v26, v0  }
0x4f: {  	v5 =	vld.idx.msk [tilespmem:v5+s3+$0x0], $0xffff;
	v2 =	vmul.f32 $1.442695020e+00, v2  }
0x50: {  	v3 =	vmul.f32 $1.442695020e+00, v3  }
0x51: {  	v6 =	vld.idx.msk [tilespmem:v6+s3+$0x0], $0xffff;
	(erf) = vpow2.f32 v2  }
0x52: {  	v27 =	vadd.s32 v9, v0;
	v38 =	vld.idx.msk [tilespmem:v7+s3+$0x0], $0xffff;
	v33 =	vmul.f32 $1.442695020e+00, v4;
	(erf) = vpow2.f32 v3  }
0x53: {  	v63 =	vld.idx.msk [tilespmem:v8+s3+$0x0], $0xffff  }
0x54: {  	v39 =	vadd.s32 v11, v0;
	v61 =	vmul.f32 $1.442695020e+00, v5;
	(erf) = vpow2.f32 v33  }
0x55: {  	v8 =	vadd.s32 v13, v0  }
0x56: {  	v24 =	vmul.f32 $1.442695020e+00, v6;
	(erf) = vpow2.f32 v61  }
0x57: {  	v26 =	vmul.f32 $1.442695020e+00, v38;
	v2 =	vld.idx.msk [tilespmem:v27+s3+$0x0], $0xffff  }
0x58: {  	v25 =	vadd.s32 v14, v0;
	v38 =	vmul.f32 $1.442695020e+00, v63;
	v63 =	vld [tilespmem:$0x1FF00];
	(erf) = vpow2.f32 v24  }
0x59: {  	v27 =	vld.idx.msk [tilespmem:v39+s3+$0x0], $0xffff  }
0x5a: {  	v39 =	vld.idx.msk [tilespmem:v8+s3+$0x0], $0xffff;
	v33 =	vadd.s32 v15, v0;
	v10 =	vpop (erf);
	(erf) = vpow2.f32 v26  }
0x5b: {  	v8 =	vadd.s32 v16, v0;
	v13 =	vpop (erf)  }
0x5c: {  	v2 =	vmul.f32 $1.442695020e+00, v2;
	(erf) = vpow2.f32 v38;
	v61 =	vadd.f32 v13, v10  }
0x5d: {  	v6 =	vld.idx.msk [tilespmem:v25+s3+$0x0], $0xffff;
	v9 =	vadd.s32 v63, v0;
	v15 =	vpop (erf)  }
0x5e: {  	v24 =	vmul.f32 $1.442695020e+00, v27;
	(erf) = vpow2.f32 v2;
	v3 =	vadd.f32 v15, v61  }
0x5f: {  	v27 =	vmul.f32 $1.442695020e+00, v39;
	v25 =	vld.idx.msk [tilespmem:v33+s3+$0x0], $0xffff;
	v16 =	vpop (erf)  }
0x60: {  	v26 =	vadd.s32 v18, v0;
	(erf) = vpow2.f32 v24;
	v3 =	vadd.f32 v16, v3  }
0x61: {  	v33 =	vld.idx.msk [tilespmem:v8+s3+$0x0], $0xffff;
	v8 =	vadd.s32 v19, v0;
	v17 =	vpop (erf)  }
0x62: {  	v38 =	vmul.f32 $1.442695020e+00, v6;
	(erf) = vpow2.f32 v27;
	v3 =	vadd.f32 v17, v3  }
0x63: {  	v39 =	vld.idx.msk [tilespmem:v9+s3+$0x0], $0xffff;
	v9 =	vadd.s32 v20, v0;
	v18 =	vpop (erf)  }
0x64: {  	v61 =	vmul.f32 $1.442695020e+00, v25;
	(erf) = vpow2.f32 v38;
	v3 =	vadd.f32 v18, v3  }
0x65: {  	v24 =	vadd.s32 v22, v0;
	v63 =	vld.idx.msk [tilespmem:v26+s3+$0x0], $0xffff;
	v19 =	vpop (erf)  }
0x66: {  	v25 =	vmul.f32 $1.442695020e+00, v33;
	(erf) = vpow2.f32 v61;
	v3 =	vadd.f32 v19, v3  }
0x67: {  	v0 =	vadd.s32 v23, v0;
	v26 =	vld.idx.msk [tilespmem:v8+s3+$0x0], $0xffff;
	v20 =	vpop (erf)  }
0x68: {  	v27 =	vmul.f32 $1.442695020e+00, v39;
	(erf) = vpow2.f32 v25;
	v3 =	vadd.f32 v20, v3  }
0x69: {  	v33 =	vld.idx.msk [tilespmem:v9+s3+$0x0], $0xffff;
	v22 =	vpop (erf)  }
0x6a: {  	v38 =	vmul.f32 $1.442695020e+00, v63;
	(erf) = vpow2.f32 v27;
	v3 =	vadd.f32 v22, v3  }
0x6b: {  	v39 =	vld.idx.msk [tilespmem:v24+s3+$0x0], $0xffff;
	v23 =	vpop (erf)  }
0x6c: {  	v61 =	vmul.f32 $1.442695020e+00, v26;
	(erf) = vpow2.f32 v38;
	v3 =	vadd.f32 v23, v3  }
0x6d: {  	v0 =	vld.idx.msk [tilespmem:v0+s3+$0x0], $0xffff;
	v14 =	vpop (erf)  }
0x6e: {  	v63 =	vmul.f32 $1.442695020e+00, v33;
	(erf) = vpow2.f32 v61;
	v3 =	vadd.f32 v14, v3  }
0x6f: {  	v11 =	vpop (erf)  }
0x70: {  	v6 =	vmul.f32 $1.442695020e+00, v39;
	(erf) = vpow2.f32 v63;
	v3 =	vadd.f32 v11, v3  }
0x71: {  	v12 =	vpop (erf)  }
0x72: {  	v0 =	vmul.f32 $1.442695020e+00, v0;
	(erf) = vpow2.f32 v6;
	v7 =	vadd.f32 v12, v3  }
0x73: {  	v9 =	vpop (erf)  }
0x74: {  	(erf) = vpow2.f32 v0;
	v24 =	vadd.f32 v9, v7  }
0x75: {  	v6 =	vpop (erf)  }
0x76: {  	v0 =	vadd.f32 v6, v24  }
0x77: {  	v3 =	vpop (erf)  }
0x78: {  	v0 =	vadd.f32 v3, v0  }
0x79: {  	v25 =	vpop (erf)  }
0x7a: {  	v26 =	vadd.f32 v25, v0  }
0x7b: {  	v27 =	vpop (erf)  }
0x7c: {  	v4 =	vadd.f32 v27, v26  }
0x7d: {  	v33 =	vpop (erf)  }
0x7e: {  	v4 =	vadd.f32 v33, v4;
	_ =	sdelay $0x1  }
0x7f: {  	(erf) = vrcp.f32 v4;
	_ =	sdelay $0x3  }
0x80: {  	v61 =	vld [tilespmem:s14+$0x0];
	_ =	sdelay $0x4  }
0x81: {  	vm0 =	veq.s32 v61, $0x0;
	vm1 =	veq.s32 v61, $0x1;
	v63 =	vpop (erf)  }
0x82: {  	vm2 =	veq.s32 v61, $0x2;
	vm6 =	veq.s32 v61, $0x3;
	v38 =	vmul.f32 v63, v10  }
0x83: {  	vm8 =	veq.s32 v61, $0x4;
	v39 =	vmul.f32 v63, v13;
	v0 =	vmul.f32 v63, v15  }
0x84: {  	vm9 =	veq.s32 v61, $0x5;
	v16 =	vmul.f32 v63, v16;
	v20 =	vmul.f32 v63, v20  }
0x85: {  	vm11 =	veq.s32 v61, $0x6;
	v22 =	vmul.f32 v63, v22;
	v23 =	vmul.f32 v63, v23  }
0x86: {  	vm14 =	veq.s32 v61, $0x7;
	v14 =	vmul.f32 v63, v14;
	v11 =	vmul.f32 v63, v11  }
0x87: {  	v12 =	vmul.f32 v63, v12;
	v8 =	vsub.f32 $1.000000000e+00, v38;
	v10 =	vsub.f32 $1.000000000e+00, v39  }
0x88: {  	v9 =	vmul.f32 v63, v9;
	v6 =	vmul.f32 v63, v6;
	v15 =	vsub.f32 $1.000000000e+00, v0  }
0x89: {  	v1 =	vsub.f32 $1.000000000e+00, v16;
	v7 =	vsel vm0, v8, v38;
	v5 =	vsel vm1, v10, v39  }
0x8a: {  	v4 =	vsel vm2, v15, v0;
	v8 =	vnsel vm0, $0x0, v8;
	v13 =	vmul.f32 $6.400000000e+01, v7  }
0x8b: {  	[tilespmem:$0x1FDB0] =	vst v25;
	v24 =	vmul.f32 $6.400000000e+01, v5;
	v25 =	vmul.f32 $6.400000000e+01, v4;
	v8 =	vsel vm1, v10, v8  }
0x8c: {  	v10 =	vsel vm6, v1, v16;
	v16 =	vmul.f32 v63, v17;
	v13 =	vtrunc.f32 v13  }
0x8d: {  	v8 =	vsel vm2, v15, v8;
	v24 =	vtrunc.f32 v24;
	v13 =	vcvt.f32.s32 v13  }
0x8e: {  	v17 =	vsel vm6, v1, v8;
	v2 =	vsub.f32 $1.000000000e+00, v16;
	v8 =	vmul.f32 v63, v18  }
0x8f: {  	v18 =	vmul.f32 v63, v19;
	vm6 =	veq.s32 v61, $0x9;
	vm3 =	vlt.s32 v13, $0x3F  }
0x90: {  	v24 =	vcvt.f32.s32 v24;
	v26 =	vnsel vm3, $0x3F, v13;
	v13 =	vtrunc.f32 v25  }
0x91: {  	[tilespmem:$0x1FDD0] =	vst v27;
	v16 =	vsel vm8, v2, v16;
	v27 =	vsub.f32 $1.000000000e+00, v8;
	v13 =	vcvt.f32.s32 v13  }
0x92: {  	v29 =	vsub.f32 $1.000000000e+00, v18;
	v17 =	vsel vm8, v2, v17;
	vm8 =	veq.s32 v61, $0xB  }
0x93: {  	vm5 =	vlt.s32 v24, $0x3F;
	v28 =	vmul.f32 $6.400000000e+01, v16;
	vm7 =	vlt.s32 v13, $0x3F  }
0x94: {  	v24 =	vnsel vm5, $0x3F, v24;
	v15 =	vnsel vm7, $0x3F, v13;
	v13 =	vmul.f32 $6.400000000e+01, v10  }
0x95: {  	v17 =	vsel vm9, v27, v17;
	vm5 =	veq.s32 v61, $0x8;
	v28 =	vtrunc.f32 v28  }
0x96: {  	v17 =	vsel vm11, v29, v17;
	vm7 =	veq.s32 v61, $0xA;
	v13 =	vtrunc.f32 v13  }
0x97: {  	v19 =	vcvt.f32.s32 v13;
	v13 =	vsel vm9, v27, v8;
	v8 =	vsel vm11, v29, v18  }
0x98: {  	v29 =	vadd.s32 v31, v26;
	v26 =	vadd.s32 v32, v26;
	v31 =	vadd.s32 v60, v24  }
0x99: {  	v24 =	vadd.s32 v34, v24;
	v30 =	vmul.f32 $6.400000000e+01, v13;
	vm10 =	vlt.s32 v19, $0x3F  }
0x9a: {  	v38 =	vld [tilespmem:$0x1FDF0];
	v2 =	vmovc v59;
	v59 =	vmovc v32;
	v32 =	vadd.s32 v35, v15;
	v18 =	vnsel vm10, $0x3F, v19;
	v19 =	vcvt.f32.s32 v28  }
0x9b: {  	[tilespmem:$0x1FDE0] =	vst v33;
	v39 =	vld [tilespmem:$0x1FE00];
	v28 =	vmul.f32 $6.400000000e+01, v8;
	v33 =	vtrunc.f32 v30;
	v30 =	vsub.f32 $1.000000000e+00, v20  }
0x9c: {  	v15 =	vadd.s32 v37, v15;
	v25 =	vcvt.f32.s32 v33;
	v33 =	vadd.s32 v56, v18  }
0x9d: {  	vm12 =	vlt.s32 v19, $0x3F;
	v28 =	vtrunc.f32 v28;
	v20 =	vsel vm14, v30, v20  }
0x9e: {  	v17 =	vsel vm14, v30, v17;
	v30 =	vsub.f32 $1.000000000e+00, v22;
	v28 =	vcvt.f32.s32 v28  }
0x9f: {  	v37 =	vld [tilespmem:$0x1FE10];
	v18 =	vadd.s32 v38, v18;
	v19 =	vnsel vm12, $0x3F, v19;
	vm13 =	vlt.s32 v25, $0x3F  }
0xa0: {  	[tilespmem:v29+s9+$0x0] =	vst.idx.add.f32.msk $0xffff, v21;
	v0 =	vadd.s32 v39, v19;
	v22 =	vsel vm5, v30, v22;
	vm15 =	vlt.s32 v28, $0x3F  }
0xa1: {  	[tilespmem:v26+s9+$0x0] =	vst.idx.add.f32.msk $0xffff, v7;
	v19 =	vadd.s32 v41, v19;
	v1 =	vmul.f32 $6.400000000e+01, v22;
	v27 =	vnsel vm15, $0x3F, v28  }
0xa2: {  	v25 =	vnsel vm13, $0x3F, v25;
	v17 =	vsel vm5, v30, v17;
	[tilespmem:v31+s9+$0x0] =	vst.idx.add.f32.msk $0xffff, v21;
	v38 =	vadd.s32 v42, v27  }
0xa3: {  	v30 =	vtrunc.f32 v1;
	v1 =	vsub.f32 $1.000000000e+00, v14;
	[tilespmem:$0x1FDC0] =	vst v38;
	v38 =	vsub.f32 $1.000000000e+00, v23  }
0xa4: {  	vm9 =	veq.s32 v61, $0xC;
	v39 =	vadd.s32 v40, v25;
	v25 =	vadd.s32 v37, v25;
	[tilespmem:v24+s9+$0x0] =	vst.idx.add.f32.msk $0xffff, v5  }
0xa5: {  	vm11 =	veq.s32 v61, $0xE;
	[tilespmem:v32+s9+$0x0] =	vst.idx.add.f32.msk $0xffff, v21;
	v14 =	vsel vm7, v1, v14;
	v17 =	vsel vm6, v38, v17  }
0xa6: {  	[tilespmem:v15+s9+$0x0] =	vst.idx.add.f32.msk $0xffff, v4;
	v37 =	vmul.f32 $6.400000000e+01, v14;
	v17 =	vsel vm7, v1, v17;
	v1 =	vsub.f32 $1.000000000e+00, v11  }
0xa7: {  	vm10 =	veq.s32 v61, $0xD;
	v28 =	vmul.f32 $6.400000000e+01, v20;
	[tilespmem:v33+s9+$0x0] =	vst.idx.add.f32.msk $0xffff, v21;
	v23 =	vsel vm6, v38, v23  }
0xa8: {  	[tilespmem:v18+s9+$0x0] =	vst.idx.add.f32.msk $0xffff, v10;
	v38 =	vsub.f32 $1.000000000e+00, v12;
	v37 =	vtrunc.f32 v37;
	v11 =	vsel vm8, v1, v11  }
0xa9: {  	[tilespmem:v0+s9+$0x0] =	vst.idx.add.f32.msk $0xffff, v21;
	v17 =	vsel vm8, v1, v17;
	v1 =	vsub.f32 $1.000000000e+00, v9;
	v26 =	vcvt.f32.s32 v37  }
0xaa: {  	v28 =	vtrunc.f32 v28;
	[tilespmem:v19+s9+$0x0] =	vst.idx.add.f32.msk $0xffff, v16;
	v12 =	vsel vm9, v38, v12;
	v17 =	vsel vm9, v38, v17  }
0xab: {  	[tilespmem:v39+s9+$0x0] =	vst.idx.add.f32.msk $0xffff, v21;
	v38 =	vmul.f32 $6.400000000e+01, v23;
	v9 =	vsel vm10, v1, v9;
	vm14 =	vlt.s32 v26, $0x3F  }
0xac: {  	v39 =	vld [tilespmem:$0x1FDB0];
	v17 =	vsel vm10, v1, v17;
	v1 =	vsub.f32 $1.000000000e+00, v6;
	v37 =	vnsel vm14, $0x3F, v26  }
0xad: {  	v38 =	vtrunc.f32 v38;
	v10 =	vadd.s32 v50, v37;
	v18 =	vadd.s32 v51, v37;
	v37 =	vld [tilespmem:$0x1FDC0]  }
0xae: {  	v6 =	vsel vm11, v1, v6;
	v17 =	vsel vm11, v1, v17;
	v1 =	vld [tilespmem:$0x1FE20];
	v38 =	vcvt.f32.s32 v38  }
0xaf: {  	v28 =	vcvt.f32.s32 v28  }
0xb0: {  	v3 =	vmul.f32 v63, v3;
	v30 =	vcvt.f32.s32 v30;
	vm13 =	vlt.s32 v38, $0x3F  }
0xb1: {  	v32 =	vmovc v59;
	v59 =	vmovc v2;
	vm4 =	vlt.s32 v28, $0x3F;
	v2 =	vnsel vm13, $0x3F, v38;
	v38 =	vmul.f32 $6.400000000e+01, v12  }
0xb2: {  	v27 =	vadd.s32 v44, v27;
	vm12 =	vlt.s32 v30, $0x3F;
	v28 =	vnsel vm4, $0x3F, v28;
	[tilespmem:v25+s9+$0x0] =	vst.idx.add.f32.msk $0xffff, v13  }
0xb3: {  	v33 =	vmul.f32 v63, v39;
	v39 =	vld [tilespmem:$0x1FF80];
	v29 =	vadd.s32 v1, v28;
	v26 =	vtrunc.f32 v38  }
0xb4: {  	v1 =	vnsel vm12, $0x3F, v30;
	v30 =	vmul.f32 $6.400000000e+01, v11;
	v16 =	vcvt.f32.s32 v26;
	v26 =	vld [tilespmem:$0x1FF60]  }
0xb5: {  	v31 =	vadd.s32 v47, v1;
	[tilespmem:v37+s9+$0x0] =	vst.idx.add.f32.msk $0xffff, v21  }
0xb6: {  	v5 =	vadd.s32 v48, v1;
	v1 =	vtrunc.f32 v30;
	v30 =	vsub.f32 $1.000000000e+00, v3;
	v37 =	vld [tilespmem:$0x1FFE0]  }
0xb7: {  	vm4 =	veq.s32 v61, $0xF;
	v7 =	vcvt.f32.s32 v1;
	v1 =	vld [tilespmem:$0x1FF70]  }
0xb8: {  	v28 =	vadd.s32 v62, v28;
	v3 =	vsel vm4, v30, v3;
	v13 =	vsel vm4, v30, v17;
	v30 =	vld [tilespmem:$0x1FFC0]  }
0xb9: {  	[tilespmem:v27+s9+$0x0] =	vst.idx.add.f32.msk $0xffff, v8  }
0xba: {  	v38 =	vsub.f32 $1.000000000e+00, v33;
	[tilespmem:v29+s9+$0x0] =	vst.idx.add.f32.msk $0xffff, v21  }
0xbb: {  	vm6 =	veq.s32 v61, $0x10;
	v4 =	vadd.s32 v45, v2;
	v29 =	vld [tilespmem:$0x1FFA0]  }
0xbc: {  	v15 =	vadd.s32 v49, v2;
	v2 =	vsel vm6, v38, v33;
	v13 =	vsel vm6, v38, v13;
	v38 =	vld [tilespmem:$0x1FDD0]  }
0xbd: {  	v19 =	vmul.f32 $6.400000000e+01, v9;
	[tilespmem:v28+s9+$0x0] =	vst.idx.add.f32.msk $0xffff, v20  }
0xbe: {  	v17 =	vmul.f32 $6.400000000e+01, v6;
	v28 =	vld [tilespmem:$0x1FF90]  }
0xbf: {  	v19 =	vtrunc.f32 v19;
	[tilespmem:v31+s9+$0x0] =	vst.idx.add.f32.msk $0xffff, v21  }
0xc0: {  	vm5 =	vlt.s32 v16, $0x3F;
	v8 =	vcvt.f32.s32 v19;
	v17 =	vtrunc.f32 v17;
	v31 =	vld [tilespmem:$0x1FFD0]  }
0xc1: {  	v16 =	vnsel vm5, $0x3F, v16;
	vm15 =	vlt.s32 v7, $0x3F;
	v17 =	vcvt.f32.s32 v17;
	[tilespmem:v5+s9+$0x0] =	vst.idx.add.f32.msk $0xffff, v22  }
0xc2: {  	v7 =	vnsel vm15, $0x3F, v7;
	v19 =	vadd.s32 v26, v16;
	vm7 =	vlt.s32 v8, $0x3F;
	[tilespmem:v4+s9+$0x0] =	vst.idx.add.f32.msk $0xffff, v21  }
0xc3: {  	v24 =	vadd.s32 v52, v7;
	v8 =	vnsel vm7, $0x3F, v8;
	vm8 =	vlt.s32 v17, $0x3F;
	[tilespmem:v15+s9+$0x0] =	vst.idx.add.f32.msk $0xffff, v23  }
0xc4: {  	v20 =	vmul.f32 $6.400000000e+01, v3;
	v26 =	vnsel vm8, $0x3F, v17;
	v17 =	vadd.s32 v39, v8;
	v39 =	vld [tilespmem:$0x1FDE0]  }
0xc5: {  	v7 =	vadd.s32 v53, v7;
	v23 =	vld [tilespmem:$0x1FF50]  }
0xc6: {  	v20 =	vtrunc.f32 v20;
	v0 =	vmul.f32 v63, v38;
	[tilespmem:v10+s9+$0x0] =	vst.idx.add.f32.msk $0xffff, v21  }
0xc7: {  	v33 =	vadd.s32 v28, v8;
	v8 =	vcvt.f32.s32 v20;
	v20 =	vmul.f32 $6.400000000e+01, v2;
	[tilespmem:v18+s9+$0x0] =	vst.idx.add.f32.msk $0xffff, v14  }
0xc8: {  	[tilespmem:v24+s9+$0x0] =	vst.idx.add.f32.msk $0xffff, v21  }
0xc9: {  	v22 =	vsub.f32 $1.000000000e+00, v0;
	v14 =	vtrunc.f32 v20;
	v20 =	vld [tilespmem:$0x1FF30]  }
0xca: {  	vm10 =	veq.s32 v61, $0x11;
	v16 =	vadd.s32 v1, v16;
	[tilespmem:v7+s9+$0x0] =	vst.idx.add.f32.msk $0xffff, v11  }
0xcb: {  	v0 =	vsel vm10, v22, v0;
	v25 =	vsel vm10, v22, v13;
	v22 =	vld [tilespmem:$0x1FF40]  }
0xcc: {  	v10 =	vmul.f32 v63, v39;
	v63 =	vld [tilespmem:$0x1FFB0]  }
0xcd: {  	v15 =	vadd.s32 v29, v26;
	[tilespmem:v19+s9+$0x0] =	vst.idx.add.f32.msk $0xffff, v21  }
0xce: {  	v19 =	vld [tilespmem:$0x1FF20]  }
0xcf: {  	v5 =	vadd.s32 v30, v26;
	vm9 =	vlt.s32 v8, $0x3F;
	v14 =	vcvt.f32.s32 v14;
	[tilespmem:v16+s9+$0x0] =	vst.idx.add.f32.msk $0xffff, v12  }
0xd0: {  	v8 =	vnsel vm9, $0x3F, v8;
	v18 =	vsub.f32 $1.000000000e+00, v10;
	[tilespmem:v17+s9+$0x0] =	vst.idx.add.f32.msk $0xffff, v21  }
0xd1: {  	vm11 =	veq.s32 v61, $0x12;
	vm12 =	vlt.s32 v14, $0x3F;
	[tilespmem:v33+s9+$0x0] =	vst.idx.add.f32.msk $0xffff, v9;
	v13 =	vadd.s32 v63, v8  }
0xd2: {  	v12 =	vnsel vm12, $0x3F, v14;
	v10 =	vsel vm11, v18, v10;
	[tilespmem:v15+s9+$0x0] =	vst.idx.add.f32.msk $0xffff, v21;
	v8 =	vadd.s32 v43, v8  }
0xd3: {  	v16 =	vadd.s32 v46, v12;
	v7 =	vsel vm11, v18, v25;
	v15 =	vld [tilespmem:$0x1FEE0];
	v18 =	vmul.f32 $6.400000000e+01, v10  }
0xd4: {  	v11 =	vmul.f32 $6.400000000e+01, v0;
	v12 =	vadd.s32 v54, v12;
	[tilespmem:v5+s9+$0x0] =	vst.idx.add.f32.msk $0xffff, v6  }
0xd5: {  	v17 =	vtrunc.f32 v18;
	v18 =	vld [tilespmem:$0x1FF10]  }
0xd6: {  	v11 =	vtrunc.f32 v11;
	[tilespmem:v13+s9+$0x0] =	vst.idx.add.f32.msk $0xffff, v21  }
0xd7: {  	v11 =	vcvt.f32.s32 v11;
	v14 =	vmul.f32 $6.400000000e+01, v7;
	[tilespmem:v8+s9+$0x0] =	vst.idx.add.f32.msk $0xffff, v3  }
0xd8: {  	[tilespmem:v16+s9+$0x0] =	vst.idx.add.f32.msk $0xffff, v21  }
0xd9: {  	vm13 =	vlt.s32 v11, $0x3F;
	v9 =	vtrunc.f32 v14;
	v26 =	vcvt.f32.s32 v17;
	[tilespmem:v12+s9+$0x0] =	vst.idx.add.f32.msk $0xffff, v2  }
0xda: {  	v11 =	vnsel vm13, $0x3F, v11;
	v9 =	vcvt.f32.s32 v9;
	v12 =	vld [tilespmem:$0x1FFF0]  }
0xdb: {  	v27 =	vadd.s32 v55, v11;
	v14 =	vld [tilespmem:$0x1FED0];
	vm14 =	vlt.s32 v26, $0x3F  }
0xdc: {  	v33 =	vadd.s32 v57, v11;
	v11 =	vld [tilespmem:$0x1FEB0];
	vm15 =	vlt.s32 v9, $0x3F;
	v4 =	vnsel vm14, $0x3F, v26  }
0xdd: {  	v13 =	vld [tilespmem:$0x1FEC0];
	v8 =	vnsel vm15, $0x3F, v9;
	v9 =	vshll.u32 v61, $0x6;
	v38 =	vadd.s32 v58, v4  }
0xde: {  	v8 =	vadd.s32 v9, v8;
	v16 =	vld [tilespmem:$0x1FEF0];
	v4 =	vadd.s32 v36, v4  }
0xdf: {  	v9 =	vld [tilespmem:$0x1FEA0];
	v39 =	vadd.s32 v12, v8  }
0xe0: {  	p1 =	sne.s32 s15, $0x7F0;
	v61 =	vadd.s32 v59, v8;
	[tilespmem:v27+s9+$0x0] =	vst.idx.add.f32.msk $0xffff, v21  }
.Ltmp1:
0xe1: {  	[tilespmem:v33+s9+$0x0] =	vst.idx.add.f32.msk $0xffff, v0;
	(pc) =	sbr.rel @p1 .LBB2_5-.Ltmp1, $4  }
0xe2: {  	[tilespmem:v38+s9+$0x0] =	vst.idx.add.f32.msk $0xffff, v21  }
0xe3: {  	v63 =	vimm.f32 $1.000000000e+00;
	[tilespmem:v4+s9+$0x0] =	vst.idx.add.f32.msk $0xffff, v10  }
0xe4: {  	[tilespmem:v39+s9+$0x0] =	vst.idx.add.f32.msk $0xffff, v63  }
0xe5: {  	s15 =	sadd.s32 $0x10, s15;
	s14 =	sadd.s32 $0x10, s14;
	[tilespmem:v61+s9+$0x0] =	vst.idx.add.f32.msk $0xffff, v7  }
.Ltmp2:
0xe6: {  	(pc) =	sbr.rel @p0 .LBB2_4-.Ltmp2, $2  }
0xe7: {  	_ =	sdelay $0x2  }
0xe8: {  	s14 =	simm.s32 $0x800;
	p1 =	por $0x0, $0x0  }
0xe9: {  	s12 =	sadd.s32 $0x1, s12  }
0xea: {  	p0 =	sne.s32 s12, s7  }
.Ltmp3:
0xeb: {  	_ = 	snop;
	(pc) =	sbr.rel @p0 .LBB2_1-.Ltmp3, $4  }
0xec: {  	[hbm4b:s6+s10] =	stream.strided.scatter [tilespmem:s9], [sflag:$0x1], $0x14000, s11, s10, $0x38;
	[tilespmem:$0x1E000] =	vst v63  }
0xed: {  	_ =	swait.ge [sflag:s8], $0x14000  }
0xee: {  	[sflag:s8] =	ssyncset.done $0x0  }
0xef: {  	v1 =	vimm.f32 $0.0e+00;
	[sflag:s8] =	ssyncadd.s32 $0xFFFEC000  }
0xf0: {  	_ =	sfence.sel $0x180000  }
0xf1: {  	[bflag:$0x0] =	sbarrier.arrive $0xFFFF  }
0xf2: {  	p0 =	sne.s32 s0, $0x0;
	_ =	strace $0x90000047  }
0xf3: {  	s0 =	sadd.s32 @!p0 $0x100000, s1;
	[bflag:$0x2] =	sbarrier.arrive $0xFFFF  }
0xf4: {  	[sflag:s0] =	ssyncadd.tile.s32 @!p0 $0x1;
	_ =	shalt  }
.Lfunc_end2:
_tile_overlayer_lowered:
.L_overlay_start_2:
0xf5: {  	(tag) =	ssettag $0x2  }
0xf6: {  	s0 =	rddreg [dreg:$0x0];
	s2 =	stileid.u32  }
0xf7: {  	s1 =	rddreg [dreg:$0x1];
	p0 =	sne.s32 s2, $0x0  }
0xf8: {  	s3 =	rddreg [dreg:$0x2];
	[bflag:$0x3] =	sbarrier.arrive $0xFFFF;
	s2 =	simm.s32 @!p0 $0x1C01  }
0xf9: {  	[timem:s3], [sflag:s2] =	dma.local @!p0 [hbm:s0], s1  }
0xfa: {  	s0 =	simm.s32 @!p0 $0x1  }
0xfb: {  	_ =	swait.ge @!p0 [sflag:s0], s1  }
0xfc: {  	s1 =	ssub.s32 @!p0 $0x0, s1;
	[sflag:s0] =	ssyncset.done @!p0 $0x0  }
0xfd: {  	[sflag:s0] =	ssyncadd.s32 @!p0 s1  }
0xfe: {  	[bflag:$0x3] =	sbarrier.arrive $0xFFFF  }
0xff: {  	_ =	shalt  }

</sc_bundles>
